<compile_context>
chip_gen: v7x
topology: tpu7x:2x2x1
jax: 0.10.2.dev20260603
libtpu: 0.0.44.dev20260713+nightly
codegen_flags: <defaults>
</compile_context>

<pallas_src>
import functools

import jax
import jax.numpy as jnp
from jax import lax
from jax.experimental import pallas as pl
from jax.experimental.pallas import tpu as pltpu
from jax.experimental.pallas import tpu_sc as plsc

D = 128
DW = D // 2
B = 4096
H = 200
V = 100000
NC, NS = 2, 16
NW = NC * NS
NBAGS = B // NW
NQ = 5
CH = H // NQ
NBUF = 5
LANES = 16
DCH = D // LANES

PACK_ROWS = 2000

_mesh = plsc.VectorSubcoreMesh(
    core_axis_name="c", subcore_axis_name="s", num_cores=NC, num_subcores=NS
)


@functools.partial(
    pl.kernel,
    out_type=jax.ShapeDtypeStruct((B, D), jnp.float32),
    mesh=_mesh,
    compiler_params=pltpu.CompilerParams(use_tc_tiling_on_sc=False),
    scratch_types=[
        pltpu.VMEM((NQ * NBAGS, CH), jnp.int32),
        pltpu.VMEM((NBUF, CH, D), jnp.float32),
        pltpu.VMEM((NBAGS, D), jnp.float32),
        pltpu.VMEM((D,), jnp.float32),
        [pltpu.SemaphoreType.DMA] * NBUF,
    ],
)
def _bag_lookup(x4, table, bias_h, out, idx_v, rows_v, out_v, bias_v, sems):
    wid = lax.axis_index("s") * NC + lax.axis_index("c")
    base = wid * NBAGS
    pltpu.sync_copy(x4.at[pl.ds(base * NQ, NQ * NBAGS)], idx_v)
    pltpu.sync_copy(bias_h, bias_v)

    def start_gather(chunk, k):
        pltpu.make_async_copy(
            table.at[idx_v.at[chunk]], rows_v.at[k], sems[k]
        ).start()

    def wait_gather(k):
        pltpu.make_async_copy(table.at[pl.ds(0, CH)], rows_v.at[k], sems[k]).wait()

    for k in range(NBUF):
        start_gather(k, k)

    bias_chunks = tuple(bias_v[pl.ds(c * LANES, LANES)] for c in range(DCH))
    bags_in_flight = NBUF // NQ

    @pl.loop(0, NBAGS, step=bags_in_flight)
    def _per_bag(i):
        for b in range(bags_in_flight):
            bag = i + b
            acc = bias_chunks
            for q in range(NQ):
                k = NQ * b + q
                wait_gather(k)
                rows = rows_v.at[k]

                def body(j, a):
                    return tuple(
                        a[c] + rows[j, pl.ds(c * LANES, LANES)] for c in range(DCH)
                    )

                acc = plsc.parallel_loop(0, CH, unroll=8, carry=acc)(body)

                @pl.when(bag + bags_in_flight < NBAGS)
                def _():
                    start_gather((bag + bags_in_flight) * NQ + q, k)

            for c in range(DCH):
                out_v[bag, pl.ds(c * LANES, LANES)] = acc[c]

    pltpu.sync_copy(out_v, out.at[pl.ds(base, NBAGS)])


def kernel(x, table, bias):
    x4 = x.astype(jnp.int32).reshape(NQ * B, CH)
    return _bag_lookup(x4, table, bias)

# --- scband reference (transcript-rebuilt; emitter-appended) ---
"""Pipeline reference for scband-inf-biased-embedding-sum-80857054314916 (READ-ONLY COPY).

The authoritative reference and input builder live on the scoring server;
editing this copy changes nothing except your own understanding.
"""

import jax, jax.numpy as jnp
import numpy as np

N_TOKS = 100000
EMB_DIM = 128
BATCH = 4096
HIST = 200

def setup_inputs(seed: int = 0) -> dict:
    key = jax.random.key(seed)
    k1, k2 = jax.random.split(key)
    x = jax.random.randint(k1, (BATCH, HIST), 0, N_TOKS, dtype=jnp.int64 if jax.config.jax_enable_x64 else jnp.int32)
    table = jax.random.normal(k2, (N_TOKS, EMB_DIM), dtype=jnp.float32)
    bias = jnp.zeros((EMB_DIM,), dtype=jnp.float32)
    return {"x": x, "table": table, "bias": bias}

def reference(x, table, bias):
    # EmbeddingBag(mode='sum') on 2D input: gather then sum over bag dim
    gathered = jnp.take(table, x, axis=0)          # [B, L, D]
    out = jnp.sum(gathered, axis=1)                 # [B, D]
    out = out + bias
    return out

if __name__ == "__main__":
    import jax
    _d = setup_inputs()
    print(jax.jit(kernel)(*tuple(_d.values())))

</pallas_src>

<mosaic_0001>
#map = affine_map<(d0, d1) -> (0, 0)>
#map1 = affine_map<(d0, d1) -> (0)>
module attributes {stable_mosaic.version = 14 : i64} {
  func.func @_bag_lookup(%arg0: i32, %arg1: i32, %arg2: memref<20480x40xi32, #tpu.memory_space<hbm>>, %arg3: memref<100000x128xf32, #tpu.memory_space<hbm>>, %arg4: memref<128xf32, #tpu.memory_space<hbm>>, %arg5: memref<4096x128xf32, #tpu.memory_space<hbm>>, %arg6: memref<640x40xi32, #tpu.memory_space<vmem>>, %arg7: memref<5x40x128xf32, #tpu.memory_space<vmem>>, %arg8: memref<128x128xf32, #tpu.memory_space<vmem>>, %arg9: memref<128xf32, #tpu.memory_space<vmem>>, %arg10: memref<!tpu.dma_semaphore, #tpu.memory_space<semaphore_mem>>, %arg11: memref<!tpu.dma_semaphore, #tpu.memory_space<semaphore_mem>>, %arg12: memref<!tpu.dma_semaphore, #tpu.memory_space<semaphore_mem>>, %arg13: memref<!tpu.dma_semaphore, #tpu.memory_space<semaphore_mem>>, %arg14: memref<!tpu.dma_semaphore, #tpu.memory_space<semaphore_mem>>) attributes {dimension_semantics = [#tpu.dimension_semantics<core_parallel>, #tpu.dimension_semantics<subcore_parallel>], iteration_bounds = array<i64: 2, 16>, scalar_prefetch = 0 : i64, scratch_operands = 9 : i64, tpu.core_type = #tpu.core_type<sc_vector_subcore>, window_params = [{transform_indices = #map}, {transform_indices = #map}, {transform_indices = #map1}, {transform_indices = #map}]} {
    %mul3A = arith.constant 2 : i32
    %mul3A_0 = arith.muli %arg1, %mul3A : i32
    %add3A = arith.addi %mul3A_0, %arg0 : i32
    %mul3A_1 = arith.constant 128 : i32
    %mul3A_2 = arith.muli %add3A, %mul3A_1 : i32
    %mul3A_3 = arith.constant 5 : i32
    %mul3A_4 = arith.muli %mul3A_2, %mul3A_3 : i32
    "tpu.region"() ({
      %run_scoped3A = tpu.sem_alloc : memref<!tpu.dma_semaphore, #tpu.memory_space<semaphore_mem>>
      %dma_start3A_91 = arith.constant 0 : i32
      %dma_start3A_92 = tpu.memref_slice %arg2[%mul3A_4, %dma_start3A_91] : memref<20480x40xi32, #tpu.memory_space<hbm>> -> memref<640x40xi32, #tpu.memory_space<hbm>>
      %dma_start3A_93 = arith.constant 0 : i32
      %dma_start3A_94 = tpu.memref_slice %arg2[%mul3A_4, %dma_start3A_93] : memref<20480x40xi32, #tpu.memory_space<hbm>> -> memref<640x40xi32, #tpu.memory_space<hbm>>
      tpu.enqueue_dma source(%dma_start3A_94 : memref<640x40xi32, #tpu.memory_space<hbm>>) target(%arg6 : memref<640x40xi32, #tpu.memory_space<vmem>>) target_semaphore(%run_scoped3A : memref<!tpu.dma_semaphore, #tpu.memory_space<semaphore_mem>>)
      %dma_wait3A = arith.constant 0 : i32
      %dma_wait3A_95 = tpu.memref_slice %arg2[%mul3A_4, %dma_wait3A] : memref<20480x40xi32, #tpu.memory_space<hbm>> -> memref<640x40xi32, #tpu.memory_space<hbm>>
      %dma_wait3A_96 = arith.constant 0 : i32
      %dma_wait3A_97 = tpu.memref_slice %arg2[%mul3A_4, %dma_wait3A_96] : memref<20480x40xi32, #tpu.memory_space<hbm>> -> memref<640x40xi32, #tpu.memory_space<hbm>>
      tpu.wait_dma2 semaphore(%run_scoped3A : memref<!tpu.dma_semaphore, #tpu.memory_space<semaphore_mem>>) src(%dma_wait3A_97 : memref<640x40xi32, #tpu.memory_space<hbm>>) dst(%arg6 : memref<640x40xi32, #tpu.memory_space<vmem>>)
      tpu.yield
    }) : () -> ()
    "tpu.region"() ({
      %run_scoped3A = tpu.sem_alloc : memref<!tpu.dma_semaphore, #tpu.memory_space<semaphore_mem>>
      tpu.enqueue_dma source(%arg4 : memref<128xf32, #tpu.memory_space<hbm>>) target(%arg9 : memref<128xf32, #tpu.memory_space<vmem>>) target_semaphore(%run_scoped3A : memref<!tpu.dma_semaphore, #tpu.memory_space<semaphore_mem>>)
      tpu.wait_dma2 semaphore(%run_scoped3A : memref<!tpu.dma_semaphore, #tpu.memory_space<semaphore_mem>>) src(%arg4 : memref<128xf32, #tpu.memory_space<hbm>>) dst(%arg9 : memref<128xf32, #tpu.memory_space<vmem>>)
      tpu.yield
    }) : () -> ()
    %dma_start3A = arith.constant 0 : i32
    %dma_start3A_5 = arith.constant 0 : i32
    %dma_start3A_6 = arith.constant 0 : i32
    %dma_start3A_7 = arith.constant 0 : i32
    %dma_start3A_8 = tpu.memref_slice %arg7[%dma_start3A_5, %dma_start3A_6, %dma_start3A_7] : memref<5x40x128xf32, #tpu.memory_space<vmem>> -> memref<1x40x128xf32, #tpu.memory_space<vmem>>
    %dma_start3A_9 = tpu.memref_squeeze %dma_start3A_8 : memref<1x40x128xf32, #tpu.memory_space<vmem>> -> memref<40x128xf32, #tpu.memory_space<vmem>>
    %dma_start3A_10 = arith.constant 0 : i32
    %dma_start3A_11 = tpu.memref_slice %arg6[%dma_start3A, %dma_start3A_10] : memref<640x40xi32, #tpu.memory_space<vmem>> -> memref<1x40xi32, #tpu.memory_space<vmem>>
    %dma_start3A_12 = tpu.memref_squeeze %dma_start3A_11 : memref<1x40xi32, #tpu.memory_space<vmem>> -> memref<40xi32, #tpu.memory_space<vmem>>
    %dma_start3A_13 = arith.constant 0 : i32
    %dma_start3A_14 = arith.constant 0 : i32
    %dma_start3A_15 = tpu.memref_slice %arg3[%dma_start3A_13, %dma_start3A_14] : memref<100000x128xf32, #tpu.memory_space<hbm>> -> memref<100000x128xf32, #tpu.memory_space<hbm>>
    tpu.enqueue_indirect_dma source(%dma_start3A_15 : memref<100000x128xf32, #tpu.memory_space<hbm>>) target(%dma_start3A_9 : memref<40x128xf32, #tpu.memory_space<vmem>>) offsets(%dma_start3A_12 : memref<40xi32, #tpu.memory_space<vmem>>) semaphore(%arg10 : memref<!tpu.dma_semaphore, #tpu.memory_space<semaphore_mem>>)
    %dma_start3A_16 = arith.constant 1 : i32
    %dma_start3A_17 = arith.constant 1 : i32
    %dma_start3A_18 = arith.constant 0 : i32
    %dma_start3A_19 = arith.constant 0 : i32
    %dma_start3A_20 = tpu.memref_slice %arg7[%dma_start3A_17, %dma_start3A_18, %dma_start3A_19] : memref<5x40x128xf32, #tpu.memory_space<vmem>> -> memref<1x40x128xf32, #tpu.memory_space<vmem>>
    %dma_start3A_21 = tpu.memref_squeeze %dma_start3A_20 : memref<1x40x128xf32, #tpu.memory_space<vmem>> -> memref<40x128xf32, #tpu.memory_space<vmem>>
    %dma_start3A_22 = arith.constant 0 : i32
    %dma_start3A_23 = tpu.memref_slice %arg6[%dma_start3A_16, %dma_start3A_22] : memref<640x40xi32, #tpu.memory_space<vmem>> -> memref<1x40xi32, #tpu.memory_space<vmem>>
    %dma_start3A_24 = tpu.memref_squeeze %dma_start3A_23 : memref<1x40xi32, #tpu.memory_space<vmem>> -> memref<40xi32, #tpu.memory_space<vmem>>
    %dma_start3A_25 = arith.constant 0 : i32
    %dma_start3A_26 = arith.constant 0 : i32
    %dma_start3A_27 = tpu.memref_slice %arg3[%dma_start3A_25, %dma_start3A_26] : memref<100000x128xf32, #tpu.memory_space<hbm>> -> memref<100000x128xf32, #tpu.memory_space<hbm>>
    tpu.enqueue_indirect_dma source(%dma_start3A_27 : memref<100000x128xf32, #tpu.memory_space<hbm>>) target(%dma_start3A_21 : memref<40x128xf32, #tpu.memory_space<vmem>>) offsets(%dma_start3A_24 : memref<40xi32, #tpu.memory_space<vmem>>) semaphore(%arg11 : memref<!tpu.dma_semaphore, #tpu.memory_space<semaphore_mem>>)
    %dma_start3A_28 = arith.constant 2 : i32
    %dma_start3A_29 = arith.constant 2 : i32
    %dma_start3A_30 = arith.constant 0 : i32
    %dma_start3A_31 = arith.constant 0 : i32
    %dma_start3A_32 = tpu.memref_slice %arg7[%dma_start3A_29, %dma_start3A_30, %dma_start3A_31] : memref<5x40x128xf32, #tpu.memory_space<vmem>> -> memref<1x40x128xf32, #tpu.memory_space<vmem>>
    %dma_start3A_33 = tpu.memref_squeeze %dma_start3A_32 : memref<1x40x128xf32, #tpu.memory_space<vmem>> -> memref<40x128xf32, #tpu.memory_space<vmem>>
    %dma_start3A_34 = arith.constant 0 : i32
    %dma_start3A_35 = tpu.memref_slice %arg6[%dma_start3A_28, %dma_start3A_34] : memref<640x40xi32, #tpu.memory_space<vmem>> -> memref<1x40xi32, #tpu.memory_space<vmem>>
    %dma_start3A_36 = tpu.memref_squeeze %dma_start3A_35 : memref<1x40xi32, #tpu.memory_space<vmem>> -> memref<40xi32, #tpu.memory_space<vmem>>
    %dma_start3A_37 = arith.constant 0 : i32
    %dma_start3A_38 = arith.constant 0 : i32
    %dma_start3A_39 = tpu.memref_slice %arg3[%dma_start3A_37, %dma_start3A_38] : memref<100000x128xf32, #tpu.memory_space<hbm>> -> memref<100000x128xf32, #tpu.memory_space<hbm>>
    tpu.enqueue_indirect_dma source(%dma_start3A_39 : memref<100000x128xf32, #tpu.memory_space<hbm>>) target(%dma_start3A_33 : memref<40x128xf32, #tpu.memory_space<vmem>>) offsets(%dma_start3A_36 : memref<40xi32, #tpu.memory_space<vmem>>) semaphore(%arg12 : memref<!tpu.dma_semaphore, #tpu.memory_space<semaphore_mem>>)
    %dma_start3A_40 = arith.constant 3 : i32
    %dma_start3A_41 = arith.constant 3 : i32
    %dma_start3A_42 = arith.constant 0 : i32
    %dma_start3A_43 = arith.constant 0 : i32
    %dma_start3A_44 = tpu.memref_slice %arg7[%dma_start3A_41, %dma_start3A_42, %dma_start3A_43] : memref<5x40x128xf32, #tpu.memory_space<vmem>> -> memref<1x40x128xf32, #tpu.memory_space<vmem>>
    %dma_start3A_45 = tpu.memref_squeeze %dma_start3A_44 : memref<1x40x128xf32, #tpu.memory_space<vmem>> -> memref<40x128xf32, #tpu.memory_space<vmem>>
    %dma_start3A_46 = arith.constant 0 : i32
    %dma_start3A_47 = tpu.memref_slice %arg6[%dma_start3A_40, %dma_start3A_46] : memref<640x40xi32, #tpu.memory_space<vmem>> -> memref<1x40xi32, #tpu.memory_space<vmem>>
    %dma_start3A_48 = tpu.memref_squeeze %dma_start3A_47 : memref<1x40xi32, #tpu.memory_space<vmem>> -> memref<40xi32, #tpu.memory_space<vmem>>
    %dma_start3A_49 = arith.constant 0 : i32
    %dma_start3A_50 = arith.constant 0 : i32
    %dma_start3A_51 = tpu.memref_slice %arg3[%dma_start3A_49, %dma_start3A_50] : memref<100000x128xf32, #tpu.memory_space<hbm>> -> memref<100000x128xf32, #tpu.memory_space<hbm>>
    tpu.enqueue_indirect_dma source(%dma_start3A_51 : memref<100000x128xf32, #tpu.memory_space<hbm>>) target(%dma_start3A_45 : memref<40x128xf32, #tpu.memory_space<vmem>>) offsets(%dma_start3A_48 : memref<40xi32, #tpu.memory_space<vmem>>) semaphore(%arg13 : memref<!tpu.dma_semaphore, #tpu.memory_space<semaphore_mem>>)
    %dma_start3A_52 = arith.constant 4 : i32
    %dma_start3A_53 = arith.constant 4 : i32
    %dma_start3A_54 = arith.constant 0 : i32
    %dma_start3A_55 = arith.constant 0 : i32
    %dma_start3A_56 = tpu.memref_slice %arg7[%dma_start3A_53, %dma_start3A_54, %dma_start3A_55] : memref<5x40x128xf32, #tpu.memory_space<vmem>> -> memref<1x40x128xf32, #tpu.memory_space<vmem>>
    %dma_start3A_57 = tpu.memref_squeeze %dma_start3A_56 : memref<1x40x128xf32, #tpu.memory_space<vmem>> -> memref<40x128xf32, #tpu.memory_space<vmem>>
    %dma_start3A_58 = arith.constant 0 : i32
    %dma_start3A_59 = tpu.memref_slice %arg6[%dma_start3A_52, %dma_start3A_58] : memref<640x40xi32, #tpu.memory_space<vmem>> -> memref<1x40xi32, #tpu.memory_space<vmem>>
    %dma_start3A_60 = tpu.memref_squeeze %dma_start3A_59 : memref<1x40xi32, #tpu.memory_space<vmem>> -> memref<40xi32, #tpu.memory_space<vmem>>
    %dma_start3A_61 = arith.constant 0 : i32
    %dma_start3A_62 = arith.constant 0 : i32
    %dma_start3A_63 = tpu.memref_slice %arg3[%dma_start3A_61, %dma_start3A_62] : memref<100000x128xf32, #tpu.memory_space<hbm>> -> memref<100000x128xf32, #tpu.memory_space<hbm>>
    tpu.enqueue_indirect_dma source(%dma_start3A_63 : memref<100000x128xf32, #tpu.memory_space<hbm>>) target(%dma_start3A_57 : memref<40x128xf32, #tpu.memory_space<vmem>>) offsets(%dma_start3A_60 : memref<40xi32, #tpu.memory_space<vmem>>) semaphore(%arg14 : memref<!tpu.dma_semaphore, #tpu.memory_space<semaphore_mem>>)
    %get3A = arith.constant 0 : index
    %get3A_64 = tpu.vector_load %arg9[%get3A] {strides = array<i32>} : memref<128xf32, #tpu.memory_space<vmem>>, vector<16xf32>,
    %get3A_65 = vector.shape_cast %get3A_64 : vector<16xf32> to vector<16xf32>
    %get3A_66 = arith.constant 16 : index
    %get3A_67 = tpu.vector_load %arg9[%get3A_66] {strides = array<i32>} : memref<128xf32, #tpu.memory_space<vmem>>, vector<16xf32>,
    %get3A_68 = vector.shape_cast %get3A_67 : vector<16xf32> to vector<16xf32>
    %get3A_69 = arith.constant 32 : index
    %get3A_70 = tpu.vector_load %arg9[%get3A_69] {strides = array<i32>} : memref<128xf32, #tpu.memory_space<vmem>>, vector<16xf32>,
    %get3A_71 = vector.shape_cast %get3A_70 : vector<16xf32> to vector<16xf32>
    %get3A_72 = arith.constant 48 : index
    %get3A_73 = tpu.vector_load %arg9[%get3A_72] {strides = array<i32>} : memref<128xf32, #tpu.memory_space<vmem>>, vector<16xf32>,
    %get3A_74 = vector.shape_cast %get3A_73 : vector<16xf32> to vector<16xf32>
    %get3A_75 = arith.constant 64 : index
    %get3A_76 = tpu.vector_load %arg9[%get3A_75] {strides = array<i32>} : memref<128xf32, #tpu.memory_space<vmem>>, vector<16xf32>,
    %get3A_77 = vector.shape_cast %get3A_76 : vector<16xf32> to vector<16xf32>
    %get3A_78 = arith.constant 80 : index
    %get3A_79 = tpu.vector_load %arg9[%get3A_78] {strides = array<i32>} : memref<128xf32, #tpu.memory_space<vmem>>, vector<16xf32>,
    %get3A_80 = vector.shape_cast %get3A_79 : vector<16xf32> to vector<16xf32>
    %get3A_81 = arith.constant 96 : index
    %get3A_82 = tpu.vector_load %arg9[%get3A_81] {strides = array<i32>} : memref<128xf32, #tpu.memory_space<vmem>>, vector<16xf32>,
    %get3A_83 = vector.shape_cast %get3A_82 : vector<16xf32> to vector<16xf32>
    %get3A_84 = arith.constant 112 : index
    %get3A_85 = tpu.vector_load %arg9[%get3A_84] {strides = array<i32>} : memref<128xf32, #tpu.memory_space<vmem>>, vector<16xf32>,
    %get3A_86 = vector.shape_cast %get3A_85 : vector<16xf32> to vector<16xf32>
    %scan3A = arith.constant 0 : i32
    %scan3A_87 = arith.constant 128 : i32
    %scan3A_88 = arith.addi %scan3A, %scan3A_87 : i32
    %scan3A_89 = arith.constant 1 : i32
    scf.for %scan3A_91 = %scan3A to %scan3A_88 step %scan3A_89  : i32 {
      %mul3A_92 = arith.constant 1 : i32
      %mul3A_93 = arith.muli %scan3A_91, %mul3A_92 : i32
      %add3A_94 = arith.constant 0 : i32
      %add3A_95 = arith.addi %add3A_94, %mul3A_93 : i32
      %add3A_96 = arith.constant 0 : i32
      %add3A_97 = arith.addi %add3A_95, %add3A_96 : i32
      %dma_wait3A = arith.constant 0 : i32
      %dma_wait3A_98 = arith.constant 0 : i32
      %dma_wait3A_99 = arith.constant 0 : i32
      %dma_wait3A_100 = tpu.memref_slice %arg7[%dma_wait3A, %dma_wait3A_98, %dma_wait3A_99] : memref<5x40x128xf32, #tpu.memory_space<vmem>> -> memref<1x40x128xf32, #tpu.memory_space<vmem>>
      %dma_wait3A_101 = tpu.memref_squeeze %dma_wait3A_100 : memref<1x40x128xf32, #tpu.memory_space<vmem>> -> memref<40x128xf32, #tpu.memory_space<vmem>>
      %dma_wait3A_102 = arith.constant 0 : i32
      %dma_wait3A_103 = arith.constant 0 : i32
      %dma_wait3A_104 = tpu.memref_slice %arg3[%dma_wait3A_102, %dma_wait3A_103] : memref<100000x128xf32, #tpu.memory_space<hbm>> -> memref<40x128xf32, #tpu.memory_space<hbm>>
      %dma_wait3A_105 = arith.constant 0 : i32
      %dma_wait3A_106 = arith.constant 0 : i32
      %dma_wait3A_107 = tpu.memref_slice %arg7[%dma_wait3A, %dma_wait3A_105, %dma_wait3A_106] : memref<5x40x128xf32, #tpu.memory_space<vmem>> -> memref<1x40x128xf32, #tpu.memory_space<vmem>>
      %dma_wait3A_108 = tpu.memref_squeeze %dma_wait3A_107 : memref<1x40x128xf32, #tpu.memory_space<vmem>> -> memref<40x128xf32, #tpu.memory_space<vmem>>
      %dma_wait3A_109 = arith.constant 0 : i32
      %dma_wait3A_110 = arith.constant 0 : i32
      %dma_wait3A_111 = tpu.memref_slice %arg3[%dma_wait3A_109, %dma_wait3A_110] : memref<100000x128xf32, #tpu.memory_space<hbm>> -> memref<40x128xf32, #tpu.memory_space<hbm>>
      tpu.wait_dma2 semaphore(%arg10 : memref<!tpu.dma_semaphore, #tpu.memory_space<semaphore_mem>>) src(%dma_wait3A_111 : memref<40x128xf32, #tpu.memory_space<hbm>>) dst(%dma_wait3A_108 : memref<40x128xf32, #tpu.memory_space<vmem>>)
      %parallel_loop3A = arith.constant 0 : i32
      %parallel_loop3A_112 = arith.constant 40 : i32
      %parallel_loop3A_113 = arith.constant 1 : i32
      %parallel_loop3A_114 = arith.constant 0 : i32
      %parallel_loop3A_115:8 = scf.for %parallel_loop3A_267 = %parallel_loop3A to %parallel_loop3A_112 step %parallel_loop3A_113 iter_args(%parallel_loop3A_268 = %get3A_65, %parallel_loop3A_269 = %get3A_68, %parallel_loop3A_270 = %get3A_71, %parallel_loop3A_271 = %get3A_74, %parallel_loop3A_272 = %get3A_77, %parallel_loop3A_273 = %get3A_80, %parallel_loop3A_274 = %get3A_83, %parallel_loop3A_275 = %get3A_86) -> (vector<16xf32>, vector<16xf32>, vector<16xf32>, vector<16xf32>, vector<16xf32>, vector<16xf32>, vector<16xf32>, vector<16xf32>)  : i32 {
        %parallel_loop3A_276 = arith.constant 0 : i32
        %parallel_loop3A_277 = arith.constant 0 : i32
        %parallel_loop3A_278 = tpu.memref_slice %arg7[%parallel_loop3A_114, %parallel_loop3A_276, %parallel_loop3A_277] : memref<5x40x128xf32, #tpu.memory_space<vmem>> -> memref<1x40x128xf32, #tpu.memory_space<vmem>>
        %parallel_loop3A_279 = tpu.memref_squeeze %parallel_loop3A_278 : memref<1x40x128xf32, #tpu.memory_space<vmem>> -> memref<40x128xf32, #tpu.memory_space<vmem>>
        %parallel_loop3A_280 = arith.index_cast %parallel_loop3A_267 : i32 to index
        %parallel_loop3A_281 = arith.constant 0 : index
        %parallel_loop3A_282 = tpu.vector_load %parallel_loop3A_279[%parallel_loop3A_280, %parallel_loop3A_281] {strides = array<i32>} : memref<40x128xf32, #tpu.memory_space<vmem>>, vector<1x16xf32>,
        %parallel_loop3A_283 = vector.shape_cast %parallel_loop3A_282 : vector<1x16xf32> to vector<16xf32>
        %parallel_loop3A_284 = arith.addf %parallel_loop3A_268, %parallel_loop3A_283 : vector<16xf32>
        %parallel_loop3A_285 = arith.constant 0 : i32
        %parallel_loop3A_286 = arith.constant 0 : i32
        %parallel_loop3A_287 = tpu.memref_slice %arg7[%parallel_loop3A_114, %parallel_loop3A_285, %parallel_loop3A_286] : memref<5x40x128xf32, #tpu.memory_space<vmem>> -> memref<1x40x128xf32, #tpu.memory_space<vmem>>
        %parallel_loop3A_288 = tpu.memref_squeeze %parallel_loop3A_287 : memref<1x40x128xf32, #tpu.memory_space<vmem>> -> memref<40x128xf32, #tpu.memory_space<vmem>>
        %parallel_loop3A_289 = arith.index_cast %parallel_loop3A_267 : i32 to index
        %parallel_loop3A_290 = arith.constant 16 : index
        %parallel_loop3A_291 = tpu.vector_load %parallel_loop3A_288[%parallel_loop3A_289, %parallel_loop3A_290] {strides = array<i32>} : memref<40x128xf32, #tpu.memory_space<vmem>>, vector<1x16xf32>,
        %parallel_loop3A_292 = vector.shape_cast %parallel_loop3A_291 : vector<1x16xf32> to vector<16xf32>
        %parallel_loop3A_293 = arith.addf %parallel_loop3A_269, %parallel_loop3A_292 : vector<16xf32>
        %parallel_loop3A_294 = arith.constant 0 : i32
        %parallel_loop3A_295 = arith.constant 0 : i32
        %parallel_loop3A_296 = tpu.memref_slice %arg7[%parallel_loop3A_114, %parallel_loop3A_294, %parallel_loop3A_295] : memref<5x40x128xf32, #tpu.memory_space<vmem>> -> memref<1x40x128xf32, #tpu.memory_space<vmem>>
        %parallel_loop3A_297 = tpu.memref_squeeze %parallel_loop3A_296 : memref<1x40x128xf32, #tpu.memory_space<vmem>> -> memref<40x128xf32, #tpu.memory_space<vmem>>
        %parallel_loop3A_298 = arith.index_cast %parallel_loop3A_267 : i32 to index
        %parallel_loop3A_299 = arith.constant 32 : index
        %parallel_loop3A_300 = tpu.vector_load %parallel_loop3A_297[%parallel_loop3A_298, %parallel_loop3A_299] {strides = array<i32>} : memref<40x128xf32, #tpu.memory_space<vmem>>, vector<1x16xf32>,
        %parallel_loop3A_301 = vector.shape_cast %parallel_loop3A_300 : vector<1x16xf32> to vector<16xf32>
        %parallel_loop3A_302 = arith.addf %parallel_loop3A_270, %parallel_loop3A_301 : vector<16xf32>
        %parallel_loop3A_303 = arith.constant 0 : i32
        %parallel_loop3A_304 = arith.constant 0 : i32
        %parallel_loop3A_305 = tpu.memref_slice %arg7[%parallel_loop3A_114, %parallel_loop3A_303, %parallel_loop3A_304] : memref<5x40x128xf32, #tpu.memory_space<vmem>> -> memref<1x40x128xf32, #tpu.memory_space<vmem>>
        %parallel_loop3A_306 = tpu.memref_squeeze %parallel_loop3A_305 : memref<1x40x128xf32, #tpu.memory_space<vmem>> -> memref<40x128xf32, #tpu.memory_space<vmem>>
        %parallel_loop3A_307 = arith.index_cast %parallel_loop3A_267 : i32 to index
        %parallel_loop3A_308 = arith.constant 48 : index
        %parallel_loop3A_309 = tpu.vector_load %parallel_loop3A_306[%parallel_loop3A_307, %parallel_loop3A_308] {strides = array<i32>} : memref<40x128xf32, #tpu.memory_space<vmem>>, vector<1x16xf32>,
        %parallel_loop3A_310 = vector.shape_cast %parallel_loop3A_309 : vector<1x16xf32> to vector<16xf32>
        %parallel_loop3A_311 = arith.addf %parallel_loop3A_271, %parallel_loop3A_310 : vector<16xf32>
        %parallel_loop3A_312 = arith.constant 0 : i32
        %parallel_loop3A_313 = arith.constant 0 : i32
        %parallel_loop3A_314 = tpu.memref_slice %arg7[%parallel_loop3A_114, %parallel_loop3A_312, %parallel_loop3A_313] : memref<5x40x128xf32, #tpu.memory_space<vmem>> -> memref<1x40x128xf32, #tpu.memory_space<vmem>>
        %parallel_loop3A_315 = tpu.memref_squeeze %parallel_loop3A_314 : memref<1x40x128xf32, #tpu.memory_space<vmem>> -> memref<40x128xf32, #tpu.memory_space<vmem>>
        %parallel_loop3A_316 = arith.index_cast %parallel_loop3A_267 : i32 to index
        %parallel_loop3A_317 = arith.constant 64 : index
        %parallel_loop3A_318 = tpu.vector_load %parallel_loop3A_315[%parallel_loop3A_316, %parallel_loop3A_317] {strides = array<i32>} : memref<40x128xf32, #tpu.memory_space<vmem>>, vector<1x16xf32>,
        %parallel_loop3A_319 = vector.shape_cast %parallel_loop3A_318 : vector<1x16xf32> to vector<16xf32>
        %parallel_loop3A_320 = arith.addf %parallel_loop3A_272, %parallel_loop3A_319 : vector<16xf32>
        %parallel_loop3A_321 = arith.constant 0 : i32
        %parallel_loop3A_322 = arith.constant 0 : i32
        %parallel_loop3A_323 = tpu.memref_slice %arg7[%parallel_loop3A_114, %parallel_loop3A_321, %parallel_loop3A_322] : memref<5x40x128xf32, #tpu.memory_space<vmem>> -> memref<1x40x128xf32, #tpu.memory_space<vmem>>
        %parallel_loop3A_324 = tpu.memref_squeeze %parallel_loop3A_323 : memref<1x40x128xf32, #tpu.memory_space<vmem>> -> memref<40x128xf32, #tpu.memory_space<vmem>>
        %parallel_loop3A_325 = arith.index_cast %parallel_loop3A_267 : i32 to index
        %parallel_loop3A_326 = arith.constant 80 : index
        %parallel_loop3A_327 = tpu.vector_load %parallel_loop3A_324[%parallel_loop3A_325, %parallel_loop3A_326] {strides = array<i32>} : memref<40x128xf32, #tpu.memory_space<vmem>>, vector<1x16xf32>,
        %parallel_loop3A_328 = vector.shape_cast %parallel_loop3A_327 : vector<1x16xf32> to vector<16xf32>
        %parallel_loop3A_329 = arith.addf %parallel_loop3A_273, %parallel_loop3A_328 : vector<16xf32>
        %parallel_loop3A_330 = arith.constant 0 : i32
        %parallel_loop3A_331 = arith.constant 0 : i32
        %parallel_loop3A_332 = tpu.memref_slice %arg7[%parallel_loop3A_114, %parallel_loop3A_330, %parallel_loop3A_331] : memref<5x40x128xf32, #tpu.memory_space<vmem>> -> memref<1x40x128xf32, #tpu.memory_space<vmem>>
        %parallel_loop3A_333 = tpu.memref_squeeze %parallel_loop3A_332 : memref<1x40x128xf32, #tpu.memory_space<vmem>> -> memref<40x128xf32, #tpu.memory_space<vmem>>
        %parallel_loop3A_334 = arith.index_cast %parallel_loop3A_267 : i32 to index
        %parallel_loop3A_335 = arith.constant 96 : index
        %parallel_loop3A_336 = tpu.vector_load %parallel_loop3A_333[%parallel_loop3A_334, %parallel_loop3A_335] {strides = array<i32>} : memref<40x128xf32, #tpu.memory_space<vmem>>, vector<1x16xf32>,
        %parallel_loop3A_337 = vector.shape_cast %parallel_loop3A_336 : vector<1x16xf32> to vector<16xf32>
        %parallel_loop3A_338 = arith.addf %parallel_loop3A_274, %parallel_loop3A_337 : vector<16xf32>
        %parallel_loop3A_339 = arith.constant 0 : i32
        %parallel_loop3A_340 = arith.constant 0 : i32
        %parallel_loop3A_341 = tpu.memref_slice %arg7[%parallel_loop3A_114, %parallel_loop3A_339, %parallel_loop3A_340] : memref<5x40x128xf32, #tpu.memory_space<vmem>> -> memref<1x40x128xf32, #tpu.memory_space<vmem>>
        %parallel_loop3A_342 = tpu.memref_squeeze %parallel_loop3A_341 : memref<1x40x128xf32, #tpu.memory_space<vmem>> -> memref<40x128xf32, #tpu.memory_space<vmem>>
        %parallel_loop3A_343 = arith.index_cast %parallel_loop3A_267 : i32 to index
        %parallel_loop3A_344 = arith.constant 112 : index
        %parallel_loop3A_345 = tpu.vector_load %parallel_loop3A_342[%parallel_loop3A_343, %parallel_loop3A_344] {strides = array<i32>} : memref<40x128xf32, #tpu.memory_space<vmem>>, vector<1x16xf32>,
        %parallel_loop3A_346 = vector.shape_cast %parallel_loop3A_345 : vector<1x16xf32> to vector<16xf32>
        %parallel_loop3A_347 = arith.addf %parallel_loop3A_275, %parallel_loop3A_346 : vector<16xf32>
        scf.yield %parallel_loop3A_284, %parallel_loop3A_293, %parallel_loop3A_302, %parallel_loop3A_311, %parallel_loop3A_320, %parallel_loop3A_329, %parallel_loop3A_338, %parallel_loop3A_347 : vector<16xf32>, vector<16xf32>, vector<16xf32>, vector<16xf32>, vector<16xf32>, vector<16xf32>, vector<16xf32>, vector<16xf32>
      } {sc.loop_unroll_factor = 8 : i64, sc.parallel_access}
      %add3A_116 = arith.constant 1 : i32
      %add3A_117 = arith.addi %add3A_97, %add3A_116 : i32
      %lt3A = arith.constant 128 : i32
      %lt3A_118 = arith.cmpi slt, %add3A_117, %lt3A : i32
      %convert_element_type3A = arith.extui %lt3A_118 : i1 to i32
      %cond3A = arith.constant 0 : i32
      %cond3A_119 = arith.cmpi ne, %convert_element_type3A, %cond3A : i32
      scf.if %cond3A_119 {
        %add3A_267 = arith.constant 1 : i32
        %add3A_268 = arith.addi %add3A_97, %add3A_267 : i32
        %mul3A_269 = arith.constant 5 : i32
        %mul3A_270 = arith.muli %add3A_268, %mul3A_269 : i32
        %add3A_271 = arith.constant 0 : i32
        %add3A_272 = arith.addi %mul3A_270, %add3A_271 : i32
        %dma_start3A_273 = arith.constant 0 : i32
        %dma_start3A_274 = arith.constant 0 : i32
        %dma_start3A_275 = arith.constant 0 : i32
        %dma_start3A_276 = tpu.memref_slice %arg7[%dma_start3A_273, %dma_start3A_274, %dma_start3A_275] : memref<5x40x128xf32, #tpu.memory_space<vmem>> -> memref<1x40x128xf32, #tpu.memory_space<vmem>>
        %dma_start3A_277 = tpu.memref_squeeze %dma_start3A_276 : memref<1x40x128xf32, #tpu.memory_space<vmem>> -> memref<40x128xf32, #tpu.memory_space<vmem>>
        %dma_start3A_278 = arith.constant 0 : i32
        %dma_start3A_279 = tpu.memref_slice %arg6[%add3A_272, %dma_start3A_278] : memref<640x40xi32, #tpu.memory_space<vmem>> -> memref<1x40xi32, #tpu.memory_space<vmem>>
        %dma_start3A_280 = tpu.memref_squeeze %dma_start3A_279 : memref<1x40xi32, #tpu.memory_space<vmem>> -> memref<40xi32, #tpu.memory_space<vmem>>
        %dma_start3A_281 = arith.constant 0 : i32
        %dma_start3A_282 = arith.constant 0 : i32
        %dma_start3A_283 = tpu.memref_slice %arg3[%dma_start3A_281, %dma_start3A_282] : memref<100000x128xf32, #tpu.memory_space<hbm>> -> memref<100000x128xf32, #tpu.memory_space<hbm>>
        tpu.enqueue_indirect_dma source(%dma_start3A_283 : memref<100000x128xf32, #tpu.memory_space<hbm>>) target(%dma_start3A_277 : memref<40x128xf32, #tpu.memory_space<vmem>>) offsets(%dma_start3A_280 : memref<40xi32, #tpu.memory_space<vmem>>) semaphore(%arg10 : memref<!tpu.dma_semaphore, #tpu.memory_space<semaphore_mem>>)
      } else {
      }
      %dma_wait3A_120 = arith.constant 1 : i32
      %dma_wait3A_121 = arith.constant 0 : i32
      %dma_wait3A_122 = arith.constant 0 : i32
      %dma_wait3A_123 = tpu.memref_slice %arg7[%dma_wait3A_120, %dma_wait3A_121, %dma_wait3A_122] : memref<5x40x128xf32, #tpu.memory_space<vmem>> -> memref<1x40x128xf32, #tpu.memory_space<vmem>>
      %dma_wait3A_124 = tpu.memref_squeeze %dma_wait3A_123 : memref<1x40x128xf32, #tpu.memory_space<vmem>> -> memref<40x128xf32, #tpu.memory_space<vmem>>
      %dma_wait3A_125 = arith.constant 0 : i32
      %dma_wait3A_126 = arith.constant 0 : i32
      %dma_wait3A_127 = tpu.memref_slice %arg3[%dma_wait3A_125, %dma_wait3A_126] : memref<100000x128xf32, #tpu.memory_space<hbm>> -> memref<40x128xf32, #tpu.memory_space<hbm>>
      %dma_wait3A_128 = arith.constant 0 : i32
      %dma_wait3A_129 = arith.constant 0 : i32
      %dma_wait3A_130 = tpu.memref_slice %arg7[%dma_wait3A_120, %dma_wait3A_128, %dma_wait3A_129] : memref<5x40x128xf32, #tpu.memory_space<vmem>> -> memref<1x40x128xf32, #tpu.memory_space<vmem>>
      %dma_wait3A_131 = tpu.memref_squeeze %dma_wait3A_130 : memref<1x40x128xf32, #tpu.memory_space<vmem>> -> memref<40x128xf32, #tpu.memory_space<vmem>>
      %dma_wait3A_132 = arith.constant 0 : i32
      %dma_wait3A_133 = arith.constant 0 : i32
      %dma_wait3A_134 = tpu.memref_slice %arg3[%dma_wait3A_132, %dma_wait3A_133] : memref<100000x128xf32, #tpu.memory_space<hbm>> -> memref<40x128xf32, #tpu.memory_space<hbm>>
      tpu.wait_dma2 semaphore(%arg11 : memref<!tpu.dma_semaphore, #tpu.memory_space<semaphore_mem>>) src(%dma_wait3A_134 : memref<40x128xf32, #tpu.memory_space<hbm>>) dst(%dma_wait3A_131 : memref<40x128xf32, #tpu.memory_space<vmem>>)
      %parallel_loop3A_135 = arith.constant 0 : i32
      %parallel_loop3A_136 = arith.constant 40 : i32
      %parallel_loop3A_137 = arith.constant 1 : i32
      %parallel_loop3A_138 = arith.constant 1 : i32
      %parallel_loop3A_139:8 = scf.for %parallel_loop3A_267 = %parallel_loop3A_135 to %parallel_loop3A_136 step %parallel_loop3A_137 iter_args(%parallel_loop3A_268 = %parallel_loop3A_115#0, %parallel_loop3A_269 = %parallel_loop3A_115#1, %parallel_loop3A_270 = %parallel_loop3A_115#2, %parallel_loop3A_271 = %parallel_loop3A_115#3, %parallel_loop3A_272 = %parallel_loop3A_115#4, %parallel_loop3A_273 = %parallel_loop3A_115#5, %parallel_loop3A_274 = %parallel_loop3A_115#6, %parallel_loop3A_275 = %parallel_loop3A_115#7) -> (vector<16xf32>, vector<16xf32>, vector<16xf32>, vector<16xf32>, vector<16xf32>, vector<16xf32>, vector<16xf32>, vector<16xf32>)  : i32 {
        %parallel_loop3A_276 = arith.constant 0 : i32
        %parallel_loop3A_277 = arith.constant 0 : i32
        %parallel_loop3A_278 = tpu.memref_slice %arg7[%parallel_loop3A_138, %parallel_loop3A_276, %parallel_loop3A_277] : memref<5x40x128xf32, #tpu.memory_space<vmem>> -> memref<1x40x128xf32, #tpu.memory_space<vmem>>
        %parallel_loop3A_279 = tpu.memref_squeeze %parallel_loop3A_278 : memref<1x40x128xf32, #tpu.memory_space<vmem>> -> memref<40x128xf32, #tpu.memory_space<vmem>>
        %parallel_loop3A_280 = arith.index_cast %parallel_loop3A_267 : i32 to index
        %parallel_loop3A_281 = arith.constant 0 : index
        %parallel_loop3A_282 = tpu.vector_load %parallel_loop3A_279[%parallel_loop3A_280, %parallel_loop3A_281] {strides = array<i32>} : memref<40x128xf32, #tpu.memory_space<vmem>>, vector<1x16xf32>,
        %parallel_loop3A_283 = vector.shape_cast %parallel_loop3A_282 : vector<1x16xf32> to vector<16xf32>
        %parallel_loop3A_284 = arith.addf %parallel_loop3A_268, %parallel_loop3A_283 : vector<16xf32>
        %parallel_loop3A_285 = arith.constant 0 : i32
        %parallel_loop3A_286 = arith.constant 0 : i32
        %parallel_loop3A_287 = tpu.memref_slice %arg7[%parallel_loop3A_138, %parallel_loop3A_285, %parallel_loop3A_286] : memref<5x40x128xf32, #tpu.memory_space<vmem>> -> memref<1x40x128xf32, #tpu.memory_space<vmem>>
        %parallel_loop3A_288 = tpu.memref_squeeze %parallel_loop3A_287 : memref<1x40x128xf32, #tpu.memory_space<vmem>> -> memref<40x128xf32, #tpu.memory_space<vmem>>
        %parallel_loop3A_289 = arith.index_cast %parallel_loop3A_267 : i32 to index
        %parallel_loop3A_290 = arith.constant 16 : index
        %parallel_loop3A_291 = tpu.vector_load %parallel_loop3A_288[%parallel_loop3A_289, %parallel_loop3A_290] {strides = array<i32>} : memref<40x128xf32, #tpu.memory_space<vmem>>, vector<1x16xf32>,
        %parallel_loop3A_292 = vector.shape_cast %parallel_loop3A_291 : vector<1x16xf32> to vector<16xf32>
        %parallel_loop3A_293 = arith.addf %parallel_loop3A_269, %parallel_loop3A_292 : vector<16xf32>
        %parallel_loop3A_294 = arith.constant 0 : i32
        %parallel_loop3A_295 = arith.constant 0 : i32
        %parallel_loop3A_296 = tpu.memref_slice %arg7[%parallel_loop3A_138, %parallel_loop3A_294, %parallel_loop3A_295] : memref<5x40x128xf32, #tpu.memory_space<vmem>> -> memref<1x40x128xf32, #tpu.memory_space<vmem>>
        %parallel_loop3A_297 = tpu.memref_squeeze %parallel_loop3A_296 : memref<1x40x128xf32, #tpu.memory_space<vmem>> -> memref<40x128xf32, #tpu.memory_space<vmem>>
        %parallel_loop3A_298 = arith.index_cast %parallel_loop3A_267 : i32 to index
        %parallel_loop3A_299 = arith.constant 32 : index
        %parallel_loop3A_300 = tpu.vector_load %parallel_loop3A_297[%parallel_loop3A_298, %parallel_loop3A_299] {strides = array<i32>} : memref<40x128xf32, #tpu.memory_space<vmem>>, vector<1x16xf32>,
        %parallel_loop3A_301 = vector.shape_cast %parallel_loop3A_300 : vector<1x16xf32> to vector<16xf32>
        %parallel_loop3A_302 = arith.addf %parallel_loop3A_270, %parallel_loop3A_301 : vector<16xf32>
        %parallel_loop3A_303 = arith.constant 0 : i32
        %parallel_loop3A_304 = arith.constant 0 : i32
        %parallel_loop3A_305 = tpu.memref_slice %arg7[%parallel_loop3A_138, %parallel_loop3A_303, %parallel_loop3A_304] : memref<5x40x128xf32, #tpu.memory_space<vmem>> -> memref<1x40x128xf32, #tpu.memory_space<vmem>>
        %parallel_loop3A_306 = tpu.memref_squeeze %parallel_loop3A_305 : memref<1x40x128xf32, #tpu.memory_space<vmem>> -> memref<40x128xf32, #tpu.memory_space<vmem>>
        %parallel_loop3A_307 = arith.index_cast %parallel_loop3A_267 : i32 to index
        %parallel_loop3A_308 = arith.constant 48 : index
        %parallel_loop3A_309 = tpu.vector_load %parallel_loop3A_306[%parallel_loop3A_307, %parallel_loop3A_308] {strides = array<i32>} : memref<40x128xf32, #tpu.memory_space<vmem>>, vector<1x16xf32>,
        %parallel_loop3A_310 = vector.shape_cast %parallel_loop3A_309 : vector<1x16xf32> to vector<16xf32>
        %parallel_loop3A_311 = arith.addf %parallel_loop3A_271, %parallel_loop3A_310 : vector<16xf32>
        %parallel_loop3A_312 = arith.constant 0 : i32
        %parallel_loop3A_313 = arith.constant 0 : i32
        %parallel_loop3A_314 = tpu.memref_slice %arg7[%parallel_loop3A_138, %parallel_loop3A_312, %parallel_loop3A_313] : memref<5x40x128xf32, #tpu.memory_space<vmem>> -> memref<1x40x128xf32, #tpu.memory_space<vmem>>
        %parallel_loop3A_315 = tpu.memref_squeeze %parallel_loop3A_314 : memref<1x40x128xf32, #tpu.memory_space<vmem>> -> memref<40x128xf32, #tpu.memory_space<vmem>>
        %parallel_loop3A_316 = arith.index_cast %parallel_loop3A_267 : i32 to index
        %parallel_loop3A_317 = arith.constant 64 : index
        %parallel_loop3A_318 = tpu.vector_load %parallel_loop3A_315[%parallel_loop3A_316, %parallel_loop3A_317] {strides = array<i32>} : memref<40x128xf32, #tpu.memory_space<vmem>>, vector<1x16xf32>,
        %parallel_loop3A_319 = vector.shape_cast %parallel_loop3A_318 : vector<1x16xf32> to vector<16xf32>
        %parallel_loop3A_320 = arith.addf %parallel_loop3A_272, %parallel_loop3A_319 : vector<16xf32>
        %parallel_loop3A_321 = arith.constant 0 : i32
        %parallel_loop3A_322 = arith.constant 0 : i32
        %parallel_loop3A_323 = tpu.memref_slice %arg7[%parallel_loop3A_138, %parallel_loop3A_321, %parallel_loop3A_322] : memref<5x40x128xf32, #tpu.memory_space<vmem>> -> memref<1x40x128xf32, #tpu.memory_space<vmem>>
        %parallel_loop3A_324 = tpu.memref_squeeze %parallel_loop3A_323 : memref<1x40x128xf32, #tpu.memory_space<vmem>> -> memref<40x128xf32, #tpu.memory_space<vmem>>
        %parallel_loop3A_325 = arith.index_cast %parallel_loop3A_267 : i32 to index
        %parallel_loop3A_326 = arith.constant 80 : index
        %parallel_loop3A_327 = tpu.vector_load %parallel_loop3A_324[%parallel_loop3A_325, %parallel_loop3A_326] {strides = array<i32>} : memref<40x128xf32, #tpu.memory_space<vmem>>, vector<1x16xf32>,
        %parallel_loop3A_328 = vector.shape_cast %parallel_loop3A_327 : vector<1x16xf32> to vector<16xf32>
        %parallel_loop3A_329 = arith.addf %parallel_loop3A_273, %parallel_loop3A_328 : vector<16xf32>
        %parallel_loop3A_330 = arith.constant 0 : i32
        %parallel_loop3A_331 = arith.constant 0 : i32
        %parallel_loop3A_332 = tpu.memref_slice %arg7[%parallel_loop3A_138, %parallel_loop3A_330, %parallel_loop3A_331] : memref<5x40x128xf32, #tpu.memory_space<vmem>> -> memref<1x40x128xf32, #tpu.memory_space<vmem>>
        %parallel_loop3A_333 = tpu.memref_squeeze %parallel_loop3A_332 : memref<1x40x128xf32, #tpu.memory_space<vmem>> -> memref<40x128xf32, #tpu.memory_space<vmem>>
        %parallel_loop3A_334 = arith.index_cast %parallel_loop3A_267 : i32 to index
        %parallel_loop3A_335 = arith.constant 96 : index
        %parallel_loop3A_336 = tpu.vector_load %parallel_loop3A_333[%parallel_loop3A_334, %parallel_loop3A_335] {strides = array<i32>} : memref<40x128xf32, #tpu.memory_space<vmem>>, vector<1x16xf32>,
        %parallel_loop3A_337 = vector.shape_cast %parallel_loop3A_336 : vector<1x16xf32> to vector<16xf32>
        %parallel_loop3A_338 = arith.addf %parallel_loop3A_274, %parallel_loop3A_337 : vector<16xf32>
        %parallel_loop3A_339 = arith.constant 0 : i32
        %parallel_loop3A_340 = arith.constant 0 : i32
        %parallel_loop3A_341 = tpu.memref_slice %arg7[%parallel_loop3A_138, %parallel_loop3A_339, %parallel_loop3A_340] : memref<5x40x128xf32, #tpu.memory_space<vmem>> -> memref<1x40x128xf32, #tpu.memory_space<vmem>>
        %parallel_loop3A_342 = tpu.memref_squeeze %parallel_loop3A_341 : memref<1x40x128xf32, #tpu.memory_space<vmem>> -> memref<40x128xf32, #tpu.memory_space<vmem>>
        %parallel_loop3A_343 = arith.index_cast %parallel_loop3A_267 : i32 to index
        %parallel_loop3A_344 = arith.constant 112 : index
        %parallel_loop3A_345 = tpu.vector_load %parallel_loop3A_342[%parallel_loop3A_343, %parallel_loop3A_344] {strides = array<i32>} : memref<40x128xf32, #tpu.memory_space<vmem>>, vector<1x16xf32>,
        %parallel_loop3A_346 = vector.shape_cast %parallel_loop3A_345 : vector<1x16xf32> to vector<16xf32>
        %parallel_loop3A_347 = arith.addf %parallel_loop3A_275, %parallel_loop3A_346 : vector<16xf32>
        scf.yield %parallel_loop3A_284, %parallel_loop3A_293, %parallel_loop3A_302, %parallel_loop3A_311, %parallel_loop3A_320, %parallel_loop3A_329, %parallel_loop3A_338, %parallel_loop3A_347 : vector<16xf32>, vector<16xf32>, vector<16xf32>, vector<16xf32>, vector<16xf32>, vector<16xf32>, vector<16xf32>, vector<16xf32>
      } {sc.loop_unroll_factor = 8 : i64, sc.parallel_access}
      %add3A_140 = arith.constant 1 : i32
      %add3A_141 = arith.addi %add3A_97, %add3A_140 : i32
      %lt3A_142 = arith.constant 128 : i32
      %lt3A_143 = arith.cmpi slt, %add3A_141, %lt3A_142 : i32
      %convert_element_type3A_144 = arith.extui %lt3A_143 : i1 to i32
      %cond3A_145 = arith.constant 0 : i32
      %cond3A_146 = arith.cmpi ne, %convert_element_type3A_144, %cond3A_145 : i32
      scf.if %cond3A_146 {
        %add3A_267 = arith.constant 1 : i32
        %add3A_268 = arith.addi %add3A_97, %add3A_267 : i32
        %mul3A_269 = arith.constant 5 : i32
        %mul3A_270 = arith.muli %add3A_268, %mul3A_269 : i32
        %add3A_271 = arith.constant 1 : i32
        %add3A_272 = arith.addi %mul3A_270, %add3A_271 : i32
        %dma_start3A_273 = arith.constant 1 : i32
        %dma_start3A_274 = arith.constant 0 : i32
        %dma_start3A_275 = arith.constant 0 : i32
        %dma_start3A_276 = tpu.memref_slice %arg7[%dma_start3A_273, %dma_start3A_274, %dma_start3A_275] : memref<5x40x128xf32, #tpu.memory_space<vmem>> -> memref<1x40x128xf32, #tpu.memory_space<vmem>>
        %dma_start3A_277 = tpu.memref_squeeze %dma_start3A_276 : memref<1x40x128xf32, #tpu.memory_space<vmem>> -> memref<40x128xf32, #tpu.memory_space<vmem>>
        %dma_start3A_278 = arith.constant 0 : i32
        %dma_start3A_279 = tpu.memref_slice %arg6[%add3A_272, %dma_start3A_278] : memref<640x40xi32, #tpu.memory_space<vmem>> -> memref<1x40xi32, #tpu.memory_space<vmem>>
        %dma_start3A_280 = tpu.memref_squeeze %dma_start3A_279 : memref<1x40xi32, #tpu.memory_space<vmem>> -> memref<40xi32, #tpu.memory_space<vmem>>
        %dma_start3A_281 = arith.constant 0 : i32
        %dma_start3A_282 = arith.constant 0 : i32
        %dma_start3A_283 = tpu.memref_slice %arg3[%dma_start3A_281, %dma_start3A_282] : memref<100000x128xf32, #tpu.memory_space<hbm>> -> memref<100000x128xf32, #tpu.memory_space<hbm>>
        tpu.enqueue_indirect_dma source(%dma_start3A_283 : memref<100000x128xf32, #tpu.memory_space<hbm>>) target(%dma_start3A_277 : memref<40x128xf32, #tpu.memory_space<vmem>>) offsets(%dma_start3A_280 : memref<40xi32, #tpu.memory_space<vmem>>) semaphore(%arg11 : memref<!tpu.dma_semaphore, #tpu.memory_space<semaphore_mem>>)
      } else {
      }
      %dma_wait3A_147 = arith.constant 2 : i32
      %dma_wait3A_148 = arith.constant 0 : i32
      %dma_wait3A_149 = arith.constant 0 : i32
      %dma_wait3A_150 = tpu.memref_slice %arg7[%dma_wait3A_147, %dma_wait3A_148, %dma_wait3A_149] : memref<5x40x128xf32, #tpu.memory_space<vmem>> -> memref<1x40x128xf32, #tpu.memory_space<vmem>>
      %dma_wait3A_151 = tpu.memref_squeeze %dma_wait3A_150 : memref<1x40x128xf32, #tpu.memory_space<vmem>> -> memref<40x128xf32, #tpu.memory_space<vmem>>
      %dma_wait3A_152 = arith.constant 0 : i32
      %dma_wait3A_153 = arith.constant 0 : i32
      %dma_wait3A_154 = tpu.memref_slice %arg3[%dma_wait3A_152, %dma_wait3A_153] : memref<100000x128xf32, #tpu.memory_space<hbm>> -> memref<40x128xf32, #tpu.memory_space<hbm>>
      %dma_wait3A_155 = arith.constant 0 : i32
      %dma_wait3A_156 = arith.constant 0 : i32
      %dma_wait3A_157 = tpu.memref_slice %arg7[%dma_wait3A_147, %dma_wait3A_155, %dma_wait3A_156] : memref<5x40x128xf32, #tpu.memory_space<vmem>> -> memref<1x40x128xf32, #tpu.memory_space<vmem>>
      %dma_wait3A_158 = tpu.memref_squeeze %dma_wait3A_157 : memref<1x40x128xf32, #tpu.memory_space<vmem>> -> memref<40x128xf32, #tpu.memory_space<vmem>>
      %dma_wait3A_159 = arith.constant 0 : i32
      %dma_wait3A_160 = arith.constant 0 : i32
      %dma_wait3A_161 = tpu.memref_slice %arg3[%dma_wait3A_159, %dma_wait3A_160] : memref<100000x128xf32, #tpu.memory_space<hbm>> -> memref<40x128xf32, #tpu.memory_space<hbm>>
      tpu.wait_dma2 semaphore(%arg12 : memref<!tpu.dma_semaphore, #tpu.memory_space<semaphore_mem>>) src(%dma_wait3A_161 : memref<40x128xf32, #tpu.memory_space<hbm>>) dst(%dma_wait3A_158 : memref<40x128xf32, #tpu.memory_space<vmem>>)
      %parallel_loop3A_162 = arith.constant 0 : i32
      %parallel_loop3A_163 = arith.constant 40 : i32
      %parallel_loop3A_164 = arith.constant 1 : i32
      %parallel_loop3A_165 = arith.constant 2 : i32
      %parallel_loop3A_166:8 = scf.for %parallel_loop3A_267 = %parallel_loop3A_162 to %parallel_loop3A_163 step %parallel_loop3A_164 iter_args(%parallel_loop3A_268 = %parallel_loop3A_139#0, %parallel_loop3A_269 = %parallel_loop3A_139#1, %parallel_loop3A_270 = %parallel_loop3A_139#2, %parallel_loop3A_271 = %parallel_loop3A_139#3, %parallel_loop3A_272 = %parallel_loop3A_139#4, %parallel_loop3A_273 = %parallel_loop3A_139#5, %parallel_loop3A_274 = %parallel_loop3A_139#6, %parallel_loop3A_275 = %parallel_loop3A_139#7) -> (vector<16xf32>, vector<16xf32>, vector<16xf32>, vector<16xf32>, vector<16xf32>, vector<16xf32>, vector<16xf32>, vector<16xf32>)  : i32 {
        %parallel_loop3A_276 = arith.constant 0 : i32
        %parallel_loop3A_277 = arith.constant 0 : i32
        %parallel_loop3A_278 = tpu.memref_slice %arg7[%parallel_loop3A_165, %parallel_loop3A_276, %parallel_loop3A_277] : memref<5x40x128xf32, #tpu.memory_space<vmem>> -> memref<1x40x128xf32, #tpu.memory_space<vmem>>
        %parallel_loop3A_279 = tpu.memref_squeeze %parallel_loop3A_278 : memref<1x40x128xf32, #tpu.memory_space<vmem>> -> memref<40x128xf32, #tpu.memory_space<vmem>>
        %parallel_loop3A_280 = arith.index_cast %parallel_loop3A_267 : i32 to index
        %parallel_loop3A_281 = arith.constant 0 : index
        %parallel_loop3A_282 = tpu.vector_load %parallel_loop3A_279[%parallel_loop3A_280, %parallel_loop3A_281] {strides = array<i32>} : memref<40x128xf32, #tpu.memory_space<vmem>>, vector<1x16xf32>,
        %parallel_loop3A_283 = vector.shape_cast %parallel_loop3A_282 : vector<1x16xf32> to vector<16xf32>
        %parallel_loop3A_284 = arith.addf %parallel_loop3A_268, %parallel_loop3A_283 : vector<16xf32>
        %parallel_loop3A_285 = arith.constant 0 : i32
        %parallel_loop3A_286 = arith.constant 0 : i32
        %parallel_loop3A_287 = tpu.memref_slice %arg7[%parallel_loop3A_165, %parallel_loop3A_285, %parallel_loop3A_286] : memref<5x40x128xf32, #tpu.memory_space<vmem>> -> memref<1x40x128xf32, #tpu.memory_space<vmem>>
        %parallel_loop3A_288 = tpu.memref_squeeze %parallel_loop3A_287 : memref<1x40x128xf32, #tpu.memory_space<vmem>> -> memref<40x128xf32, #tpu.memory_space<vmem>>
        %parallel_loop3A_289 = arith.index_cast %parallel_loop3A_267 : i32 to index
        %parallel_loop3A_290 = arith.constant 16 : index
        %parallel_loop3A_291 = tpu.vector_load %parallel_loop3A_288[%parallel_loop3A_289, %parallel_loop3A_290] {strides = array<i32>} : memref<40x128xf32, #tpu.memory_space<vmem>>, vector<1x16xf32>,
        %parallel_loop3A_292 = vector.shape_cast %parallel_loop3A_291 : vector<1x16xf32> to vector<16xf32>
        %parallel_loop3A_293 = arith.addf %parallel_loop3A_269, %parallel_loop3A_292 : vector<16xf32>
        %parallel_loop3A_294 = arith.constant 0 : i32
        %parallel_loop3A_295 = arith.constant 0 : i32
        %parallel_loop3A_296 = tpu.memref_slice %arg7[%parallel_loop3A_165, %parallel_loop3A_294, %parallel_loop3A_295] : memref<5x40x128xf32, #tpu.memory_space<vmem>> -> memref<1x40x128xf32, #tpu.memory_space<vmem>>
        %parallel_loop3A_297 = tpu.memref_squeeze %parallel_loop3A_296 : memref<1x40x128xf32, #tpu.memory_space<vmem>> -> memref<40x128xf32, #tpu.memory_space<vmem>>
        %parallel_loop3A_298 = arith.index_cast %parallel_loop3A_267 : i32 to index
        %parallel_loop3A_299 = arith.constant 32 : index
        %parallel_loop3A_300 = tpu.vector_load %parallel_loop3A_297[%parallel_loop3A_298, %parallel_loop3A_299] {strides = array<i32>} : memref<40x128xf32, #tpu.memory_space<vmem>>, vector<1x16xf32>,
        %parallel_loop3A_301 = vector.shape_cast %parallel_loop3A_300 : vector<1x16xf32> to vector<16xf32>
        %parallel_loop3A_302 = arith.addf %parallel_loop3A_270, %parallel_loop3A_301 : vector<16xf32>
        %parallel_loop3A_303 = arith.constant 0 : i32
        %parallel_loop3A_304 = arith.constant 0 : i32
        %parallel_loop3A_305 = tpu.memref_slice %arg7[%parallel_loop3A_165, %parallel_loop3A_303, %parallel_loop3A_304] : memref<5x40x128xf32, #tpu.memory_space<vmem>> -> memref<1x40x128xf32, #tpu.memory_space<vmem>>
        %parallel_loop3A_306 = tpu.memref_squeeze %parallel_loop3A_305 : memref<1x40x128xf32, #tpu.memory_space<vmem>> -> memref<40x128xf32, #tpu.memory_space<vmem>>
        %parallel_loop3A_307 = arith.index_cast %parallel_loop3A_267 : i32 to index
        %parallel_loop3A_308 = arith.constant 48 : index
        %parallel_loop3A_309 = tpu.vector_load %parallel_loop3A_306[%parallel_loop3A_307, %parallel_loop3A_308] {strides = array<i32>} : memref<40x128xf32, #tpu.memory_space<vmem>>, vector<1x16xf32>,
        %parallel_loop3A_310 = vector.shape_cast %parallel_loop3A_309 : vector<1x16xf32> to vector<16xf32>
        %parallel_loop3A_311 = arith.addf %parallel_loop3A_271, %parallel_loop3A_310 : vector<16xf32>
        %parallel_loop3A_312 = arith.constant 0 : i32
        %parallel_loop3A_313 = arith.constant 0 : i32
        %parallel_loop3A_314 = tpu.memref_slice %arg7[%parallel_loop3A_165, %parallel_loop3A_312, %parallel_loop3A_313] : memref<5x40x128xf32, #tpu.memory_space<vmem>> -> memref<1x40x128xf32, #tpu.memory_space<vmem>>
        %parallel_loop3A_315 = tpu.memref_squeeze %parallel_loop3A_314 : memref<1x40x128xf32, #tpu.memory_space<vmem>> -> memref<40x128xf32, #tpu.memory_space<vmem>>
        %parallel_loop3A_316 = arith.index_cast %parallel_loop3A_267 : i32 to index
        %parallel_loop3A_317 = arith.constant 64 : index
        %parallel_loop3A_318 = tpu.vector_load %parallel_loop3A_315[%parallel_loop3A_316, %parallel_loop3A_317] {strides = array<i32>} : memref<40x128xf32, #tpu.memory_space<vmem>>, vector<1x16xf32>,
        %parallel_loop3A_319 = vector.shape_cast %parallel_loop3A_318 : vector<1x16xf32> to vector<16xf32>
        %parallel_loop3A_320 = arith.addf %parallel_loop3A_272, %parallel_loop3A_319 : vector<16xf32>
        %parallel_loop3A_321 = arith.constant 0 : i32
        %parallel_loop3A_322 = arith.constant 0 : i32
        %parallel_loop3A_323 = tpu.memref_slice %arg7[%parallel_loop3A_165, %parallel_loop3A_321, %parallel_loop3A_322] : memref<5x40x128xf32, #tpu.memory_space<vmem>> -> memref<1x40x128xf32, #tpu.memory_space<vmem>>
        %parallel_loop3A_324 = tpu.memref_squeeze %parallel_loop3A_323 : memref<1x40x128xf32, #tpu.memory_space<vmem>> -> memref<40x128xf32, #tpu.memory_space<vmem>>
        %parallel_loop3A_325 = arith.index_cast %parallel_loop3A_267 : i32 to index
        %parallel_loop3A_326 = arith.constant 80 : index
        %parallel_loop3A_327 = tpu.vector_load %parallel_loop3A_324[%parallel_loop3A_325, %parallel_loop3A_326] {strides = array<i32>} : memref<40x128xf32, #tpu.memory_space<vmem>>, vector<1x16xf32>,
        %parallel_loop3A_328 = vector.shape_cast %parallel_loop3A_327 : vector<1x16xf32> to vector<16xf32>
        %parallel_loop3A_329 = arith.addf %parallel_loop3A_273, %parallel_loop3A_328 : vector<16xf32>
        %parallel_loop3A_330 = arith.constant 0 : i32
        %parallel_loop3A_331 = arith.constant 0 : i32
        %parallel_loop3A_332 = tpu.memref_slice %arg7[%parallel_loop3A_165, %parallel_loop3A_330, %parallel_loop3A_331] : memref<5x40x128xf32, #tpu.memory_space<vmem>> -> memref<1x40x128xf32, #tpu.memory_space<vmem>>
        %parallel_loop3A_333 = tpu.memref_squeeze %parallel_loop3A_332 : memref<1x40x128xf32, #tpu.memory_space<vmem>> -> memref<40x128xf32, #tpu.memory_space<vmem>>
        %parallel_loop3A_334 = arith.index_cast %parallel_loop3A_267 : i32 to index
        %parallel_loop3A_335 = arith.constant 96 : index
        %parallel_loop3A_336 = tpu.vector_load %parallel_loop3A_333[%parallel_loop3A_334, %parallel_loop3A_335] {strides = array<i32>} : memref<40x128xf32, #tpu.memory_space<vmem>>, vector<1x16xf32>,
        %parallel_loop3A_337 = vector.shape_cast %parallel_loop3A_336 : vector<1x16xf32> to vector<16xf32>
        %parallel_loop3A_338 = arith.addf %parallel_loop3A_274, %parallel_loop3A_337 : vector<16xf32>
        %parallel_loop3A_339 = arith.constant 0 : i32
        %parallel_loop3A_340 = arith.constant 0 : i32
        %parallel_loop3A_341 = tpu.memref_slice %arg7[%parallel_loop3A_165, %parallel_loop3A_339, %parallel_loop3A_340] : memref<5x40x128xf32, #tpu.memory_space<vmem>> -> memref<1x40x128xf32, #tpu.memory_space<vmem>>
        %parallel_loop3A_342 = tpu.memref_squeeze %parallel_loop3A_341 : memref<1x40x128xf32, #tpu.memory_space<vmem>> -> memref<40x128xf32, #tpu.memory_space<vmem>>
        %parallel_loop3A_343 = arith.index_cast %parallel_loop3A_267 : i32 to index
        %parallel_loop3A_344 = arith.constant 112 : index
        %parallel_loop3A_345 = tpu.vector_load %parallel_loop3A_342[%parallel_loop3A_343, %parallel_loop3A_344] {strides = array<i32>} : memref<40x128xf32, #tpu.memory_space<vmem>>, vector<1x16xf32>,
        %parallel_loop3A_346 = vector.shape_cast %parallel_loop3A_345 : vector<1x16xf32> to vector<16xf32>
        %parallel_loop3A_347 = arith.addf %parallel_loop3A_275, %parallel_loop3A_346 : vector<16xf32>
        scf.yield %parallel_loop3A_284, %parallel_loop3A_293, %parallel_loop3A_302, %parallel_loop3A_311, %parallel_loop3A_320, %parallel_loop3A_329, %parallel_loop3A_338, %parallel_loop3A_347 : vector<16xf32>, vector<16xf32>, vector<16xf32>, vector<16xf32>, vector<16xf32>, vector<16xf32>, vector<16xf32>, vector<16xf32>
      } {sc.loop_unroll_factor = 8 : i64, sc.parallel_access}
      %add3A_167 = arith.constant 1 : i32
      %add3A_168 = arith.addi %add3A_97, %add3A_167 : i32
      %lt3A_169 = arith.constant 128 : i32
      %lt3A_170 = arith.cmpi slt, %add3A_168, %lt3A_169 : i32
      %convert_element_type3A_171 = arith.extui %lt3A_170 : i1 to i32
      %cond3A_172 = arith.constant 0 : i32
      %cond3A_173 = arith.cmpi ne, %convert_element_type3A_171, %cond3A_172 : i32
      scf.if %cond3A_173 {
        %add3A_267 = arith.constant 1 : i32
        %add3A_268 = arith.addi %add3A_97, %add3A_267 : i32
        %mul3A_269 = arith.constant 5 : i32
        %mul3A_270 = arith.muli %add3A_268, %mul3A_269 : i32
        %add3A_271 = arith.constant 2 : i32
        %add3A_272 = arith.addi %mul3A_270, %add3A_271 : i32
        %dma_start3A_273 = arith.constant 2 : i32
        %dma_start3A_274 = arith.constant 0 : i32
        %dma_start3A_275 = arith.constant 0 : i32
        %dma_start3A_276 = tpu.memref_slice %arg7[%dma_start3A_273, %dma_start3A_274, %dma_start3A_275] : memref<5x40x128xf32, #tpu.memory_space<vmem>> -> memref<1x40x128xf32, #tpu.memory_space<vmem>>
        %dma_start3A_277 = tpu.memref_squeeze %dma_start3A_276 : memref<1x40x128xf32, #tpu.memory_space<vmem>> -> memref<40x128xf32, #tpu.memory_space<vmem>>
        %dma_start3A_278 = arith.constant 0 : i32
        %dma_start3A_279 = tpu.memref_slice %arg6[%add3A_272, %dma_start3A_278] : memref<640x40xi32, #tpu.memory_space<vmem>> -> memref<1x40xi32, #tpu.memory_space<vmem>>
        %dma_start3A_280 = tpu.memref_squeeze %dma_start3A_279 : memref<1x40xi32, #tpu.memory_space<vmem>> -> memref<40xi32, #tpu.memory_space<vmem>>
        %dma_start3A_281 = arith.constant 0 : i32
        %dma_start3A_282 = arith.constant 0 : i32
        %dma_start3A_283 = tpu.memref_slice %arg3[%dma_start3A_281, %dma_start3A_282] : memref<100000x128xf32, #tpu.memory_space<hbm>> -> memref<100000x128xf32, #tpu.memory_space<hbm>>
        tpu.enqueue_indirect_dma source(%dma_start3A_283 : memref<100000x128xf32, #tpu.memory_space<hbm>>) target(%dma_start3A_277 : memref<40x128xf32, #tpu.memory_space<vmem>>) offsets(%dma_start3A_280 : memref<40xi32, #tpu.memory_space<vmem>>) semaphore(%arg12 : memref<!tpu.dma_semaphore, #tpu.memory_space<semaphore_mem>>)
      } else {
      }
      %dma_wait3A_174 = arith.constant 3 : i32
      %dma_wait3A_175 = arith.constant 0 : i32
      %dma_wait3A_176 = arith.constant 0 : i32
      %dma_wait3A_177 = tpu.memref_slice %arg7[%dma_wait3A_174, %dma_wait3A_175, %dma_wait3A_176] : memref<5x40x128xf32, #tpu.memory_space<vmem>> -> memref<1x40x128xf32, #tpu.memory_space<vmem>>
      %dma_wait3A_178 = tpu.memref_squeeze %dma_wait3A_177 : memref<1x40x128xf32, #tpu.memory_space<vmem>> -> memref<40x128xf32, #tpu.memory_space<vmem>>
      %dma_wait3A_179 = arith.constant 0 : i32
      %dma_wait3A_180 = arith.constant 0 : i32
      %dma_wait3A_181 = tpu.memref_slice %arg3[%dma_wait3A_179, %dma_wait3A_180] : memref<100000x128xf32, #tpu.memory_space<hbm>> -> memref<40x128xf32, #tpu.memory_space<hbm>>
      %dma_wait3A_182 = arith.constant 0 : i32
      %dma_wait3A_183 = arith.constant 0 : i32
      %dma_wait3A_184 = tpu.memref_slice %arg7[%dma_wait3A_174, %dma_wait3A_182, %dma_wait3A_183] : memref<5x40x128xf32, #tpu.memory_space<vmem>> -> memref<1x40x128xf32, #tpu.memory_space<vmem>>
      %dma_wait3A_185 = tpu.memref_squeeze %dma_wait3A_184 : memref<1x40x128xf32, #tpu.memory_space<vmem>> -> memref<40x128xf32, #tpu.memory_space<vmem>>
      %dma_wait3A_186 = arith.constant 0 : i32
      %dma_wait3A_187 = arith.constant 0 : i32
      %dma_wait3A_188 = tpu.memref_slice %arg3[%dma_wait3A_186, %dma_wait3A_187] : memref<100000x128xf32, #tpu.memory_space<hbm>> -> memref<40x128xf32, #tpu.memory_space<hbm>>
      tpu.wait_dma2 semaphore(%arg13 : memref<!tpu.dma_semaphore, #tpu.memory_space<semaphore_mem>>) src(%dma_wait3A_188 : memref<40x128xf32, #tpu.memory_space<hbm>>) dst(%dma_wait3A_185 : memref<40x128xf32, #tpu.memory_space<vmem>>)
      %parallel_loop3A_189 = arith.constant 0 : i32
      %parallel_loop3A_190 = arith.constant 40 : i32
      %parallel_loop3A_191 = arith.constant 1 : i32
      %parallel_loop3A_192 = arith.constant 3 : i32
      %parallel_loop3A_193:8 = scf.for %parallel_loop3A_267 = %parallel_loop3A_189 to %parallel_loop3A_190 step %parallel_loop3A_191 iter_args(%parallel_loop3A_268 = %parallel_loop3A_166#0, %parallel_loop3A_269 = %parallel_loop3A_166#1, %parallel_loop3A_270 = %parallel_loop3A_166#2, %parallel_loop3A_271 = %parallel_loop3A_166#3, %parallel_loop3A_272 = %parallel_loop3A_166#4, %parallel_loop3A_273 = %parallel_loop3A_166#5, %parallel_loop3A_274 = %parallel_loop3A_166#6, %parallel_loop3A_275 = %parallel_loop3A_166#7) -> (vector<16xf32>, vector<16xf32>, vector<16xf32>, vector<16xf32>, vector<16xf32>, vector<16xf32>, vector<16xf32>, vector<16xf32>)  : i32 {
        %parallel_loop3A_276 = arith.constant 0 : i32
        %parallel_loop3A_277 = arith.constant 0 : i32
        %parallel_loop3A_278 = tpu.memref_slice %arg7[%parallel_loop3A_192, %parallel_loop3A_276, %parallel_loop3A_277] : memref<5x40x128xf32, #tpu.memory_space<vmem>> -> memref<1x40x128xf32, #tpu.memory_space<vmem>>
        %parallel_loop3A_279 = tpu.memref_squeeze %parallel_loop3A_278 : memref<1x40x128xf32, #tpu.memory_space<vmem>> -> memref<40x128xf32, #tpu.memory_space<vmem>>
        %parallel_loop3A_280 = arith.index_cast %parallel_loop3A_267 : i32 to index
        %parallel_loop3A_281 = arith.constant 0 : index
        %parallel_loop3A_282 = tpu.vector_load %parallel_loop3A_279[%parallel_loop3A_280, %parallel_loop3A_281] {strides = array<i32>} : memref<40x128xf32, #tpu.memory_space<vmem>>, vector<1x16xf32>,
        %parallel_loop3A_283 = vector.shape_cast %parallel_loop3A_282 : vector<1x16xf32> to vector<16xf32>
        %parallel_loop3A_284 = arith.addf %parallel_loop3A_268, %parallel_loop3A_283 : vector<16xf32>
        %parallel_loop3A_285 = arith.constant 0 : i32
        %parallel_loop3A_286 = arith.constant 0 : i32
        %parallel_loop3A_287 = tpu.memref_slice %arg7[%parallel_loop3A_192, %parallel_loop3A_285, %parallel_loop3A_286] : memref<5x40x128xf32, #tpu.memory_space<vmem>> -> memref<1x40x128xf32, #tpu.memory_space<vmem>>
        %parallel_loop3A_288 = tpu.memref_squeeze %parallel_loop3A_287 : memref<1x40x128xf32, #tpu.memory_space<vmem>> -> memref<40x128xf32, #tpu.memory_space<vmem>>
        %parallel_loop3A_289 = arith.index_cast %parallel_loop3A_267 : i32 to index
        %parallel_loop3A_290 = arith.constant 16 : index
        %parallel_loop3A_291 = tpu.vector_load %parallel_loop3A_288[%parallel_loop3A_289, %parallel_loop3A_290] {strides = array<i32>} : memref<40x128xf32, #tpu.memory_space<vmem>>, vector<1x16xf32>,
        %parallel_loop3A_292 = vector.shape_cast %parallel_loop3A_291 : vector<1x16xf32> to vector<16xf32>
        %parallel_loop3A_293 = arith.addf %parallel_loop3A_269, %parallel_loop3A_292 : vector<16xf32>
        %parallel_loop3A_294 = arith.constant 0 : i32
        %parallel_loop3A_295 = arith.constant 0 : i32
        %parallel_loop3A_296 = tpu.memref_slice %arg7[%parallel_loop3A_192, %parallel_loop3A_294, %parallel_loop3A_295] : memref<5x40x128xf32, #tpu.memory_space<vmem>> -> memref<1x40x128xf32, #tpu.memory_space<vmem>>
        %parallel_loop3A_297 = tpu.memref_squeeze %parallel_loop3A_296 : memref<1x40x128xf32, #tpu.memory_space<vmem>> -> memref<40x128xf32, #tpu.memory_space<vmem>>
        %parallel_loop3A_298 = arith.index_cast %parallel_loop3A_267 : i32 to index
        %parallel_loop3A_299 = arith.constant 32 : index
        %parallel_loop3A_300 = tpu.vector_load %parallel_loop3A_297[%parallel_loop3A_298, %parallel_loop3A_299] {strides = array<i32>} : memref<40x128xf32, #tpu.memory_space<vmem>>, vector<1x16xf32>,
        %parallel_loop3A_301 = vector.shape_cast %parallel_loop3A_300 : vector<1x16xf32> to vector<16xf32>
        %parallel_loop3A_302 = arith.addf %parallel_loop3A_270, %parallel_loop3A_301 : vector<16xf32>
        %parallel_loop3A_303 = arith.constant 0 : i32
        %parallel_loop3A_304 = arith.constant 0 : i32
        %parallel_loop3A_305 = tpu.memref_slice %arg7[%parallel_loop3A_192, %parallel_loop3A_303, %parallel_loop3A_304] : memref<5x40x128xf32, #tpu.memory_space<vmem>> -> memref<1x40x128xf32, #tpu.memory_space<vmem>>
        %parallel_loop3A_306 = tpu.memref_squeeze %parallel_loop3A_305 : memref<1x40x128xf32, #tpu.memory_space<vmem>> -> memref<40x128xf32, #tpu.memory_space<vmem>>
        %parallel_loop3A_307 = arith.index_cast %parallel_loop3A_267 : i32 to index
        %parallel_loop3A_308 = arith.constant 48 : index
        %parallel_loop3A_309 = tpu.vector_load %parallel_loop3A_306[%parallel_loop3A_307, %parallel_loop3A_308] {strides = array<i32>} : memref<40x128xf32, #tpu.memory_space<vmem>>, vector<1x16xf32>,
        %parallel_loop3A_310 = vector.shape_cast %parallel_loop3A_309 : vector<1x16xf32> to vector<16xf32>
        %parallel_loop3A_311 = arith.addf %parallel_loop3A_271, %parallel_loop3A_310 : vector<16xf32>
        %parallel_loop3A_312 = arith.constant 0 : i32
        %parallel_loop3A_313 = arith.constant 0 : i32
        %parallel_loop3A_314 = tpu.memref_slice %arg7[%parallel_loop3A_192, %parallel_loop3A_312, %parallel_loop3A_313] : memref<5x40x128xf32, #tpu.memory_space<vmem>> -> memref<1x40x128xf32, #tpu.memory_space<vmem>>
        %parallel_loop3A_315 = tpu.memref_squeeze %parallel_loop3A_314 : memref<1x40x128xf32, #tpu.memory_space<vmem>> -> memref<40x128xf32, #tpu.memory_space<vmem>>
        %parallel_loop3A_316 = arith.index_cast %parallel_loop3A_267 : i32 to index
        %parallel_loop3A_317 = arith.constant 64 : index
        %parallel_loop3A_318 = tpu.vector_load %parallel_loop3A_315[%parallel_loop3A_316, %parallel_loop3A_317] {strides = array<i32>} : memref<40x128xf32, #tpu.memory_space<vmem>>, vector<1x16xf32>,
        %parallel_loop3A_319 = vector.shape_cast %parallel_loop3A_318 : vector<1x16xf32> to vector<16xf32>
        %parallel_loop3A_320 = arith.addf %parallel_loop3A_272, %parallel_loop3A_319 : vector<16xf32>
        %parallel_loop3A_321 = arith.constant 0 : i32
        %parallel_loop3A_322 = arith.constant 0 : i32
        %parallel_loop3A_323 = tpu.memref_slice %arg7[%parallel_loop3A_192, %parallel_loop3A_321, %parallel_loop3A_322] : memref<5x40x128xf32, #tpu.memory_space<vmem>> -> memref<1x40x128xf32, #tpu.memory_space<vmem>>
        %parallel_loop3A_324 = tpu.memref_squeeze %parallel_loop3A_323 : memref<1x40x128xf32, #tpu.memory_space<vmem>> -> memref<40x128xf32, #tpu.memory_space<vmem>>
        %parallel_loop3A_325 = arith.index_cast %parallel_loop3A_267 : i32 to index
        %parallel_loop3A_326 = arith.constant 80 : index
        %parallel_loop3A_327 = tpu.vector_load %parallel_loop3A_324[%parallel_loop3A_325, %parallel_loop3A_326] {strides = array<i32>} : memref<40x128xf32, #tpu.memory_space<vmem>>, vector<1x16xf32>,
        %parallel_loop3A_328 = vector.shape_cast %parallel_loop3A_327 : vector<1x16xf32> to vector<16xf32>
        %parallel_loop3A_329 = arith.addf %parallel_loop3A_273, %parallel_loop3A_328 : vector<16xf32>
        %parallel_loop3A_330 = arith.constant 0 : i32
        %parallel_loop3A_331 = arith.constant 0 : i32
        %parallel_loop3A_332 = tpu.memref_slice %arg7[%parallel_loop3A_192, %parallel_loop3A_330, %parallel_loop3A_331] : memref<5x40x128xf32, #tpu.memory_space<vmem>> -> memref<1x40x128xf32, #tpu.memory_space<vmem>>
        %parallel_loop3A_333 = tpu.memref_squeeze %parallel_loop3A_332 : memref<1x40x128xf32, #tpu.memory_space<vmem>> -> memref<40x128xf32, #tpu.memory_space<vmem>>
        %parallel_loop3A_334 = arith.index_cast %parallel_loop3A_267 : i32 to index
        %parallel_loop3A_335 = arith.constant 96 : index
        %parallel_loop3A_336 = tpu.vector_load %parallel_loop3A_333[%parallel_loop3A_334, %parallel_loop3A_335] {strides = array<i32>} : memref<40x128xf32, #tpu.memory_space<vmem>>, vector<1x16xf32>,
        %parallel_loop3A_337 = vector.shape_cast %parallel_loop3A_336 : vector<1x16xf32> to vector<16xf32>
        %parallel_loop3A_338 = arith.addf %parallel_loop3A_274, %parallel_loop3A_337 : vector<16xf32>
        %parallel_loop3A_339 = arith.constant 0 : i32
        %parallel_loop3A_340 = arith.constant 0 : i32
        %parallel_loop3A_341 = tpu.memref_slice %arg7[%parallel_loop3A_192, %parallel_loop3A_339, %parallel_loop3A_340] : memref<5x40x128xf32, #tpu.memory_space<vmem>> -> memref<1x40x128xf32, #tpu.memory_space<vmem>>
        %parallel_loop3A_342 = tpu.memref_squeeze %parallel_loop3A_341 : memref<1x40x128xf32, #tpu.memory_space<vmem>> -> memref<40x128xf32, #tpu.memory_space<vmem>>
        %parallel_loop3A_343 = arith.index_cast %parallel_loop3A_267 : i32 to index
        %parallel_loop3A_344 = arith.constant 112 : index
        %parallel_loop3A_345 = tpu.vector_load %parallel_loop3A_342[%parallel_loop3A_343, %parallel_loop3A_344] {strides = array<i32>} : memref<40x128xf32, #tpu.memory_space<vmem>>, vector<1x16xf32>,
        %parallel_loop3A_346 = vector.shape_cast %parallel_loop3A_345 : vector<1x16xf32> to vector<16xf32>
        %parallel_loop3A_347 = arith.addf %parallel_loop3A_275, %parallel_loop3A_346 : vector<16xf32>
        scf.yield %parallel_loop3A_284, %parallel_loop3A_293, %parallel_loop3A_302, %parallel_loop3A_311, %parallel_loop3A_320, %parallel_loop3A_329, %parallel_loop3A_338, %parallel_loop3A_347 : vector<16xf32>, vector<16xf32>, vector<16xf32>, vector<16xf32>, vector<16xf32>, vector<16xf32>, vector<16xf32>, vector<16xf32>
      } {sc.loop_unroll_factor = 8 : i64, sc.parallel_access}
      %add3A_194 = arith.constant 1 : i32
      %add3A_195 = arith.addi %add3A_97, %add3A_194 : i32
      %lt3A_196 = arith.constant 128 : i32
      %lt3A_197 = arith.cmpi slt, %add3A_195, %lt3A_196 : i32
      %convert_element_type3A_198 = arith.extui %lt3A_197 : i1 to i32
      %cond3A_199 = arith.constant 0 : i32
      %cond3A_200 = arith.cmpi ne, %convert_element_type3A_198, %cond3A_199 : i32
      scf.if %cond3A_200 {
        %add3A_267 = arith.constant 1 : i32
        %add3A_268 = arith.addi %add3A_97, %add3A_267 : i32
        %mul3A_269 = arith.constant 5 : i32
        %mul3A_270 = arith.muli %add3A_268, %mul3A_269 : i32
        %add3A_271 = arith.constant 3 : i32
        %add3A_272 = arith.addi %mul3A_270, %add3A_271 : i32
        %dma_start3A_273 = arith.constant 3 : i32
        %dma_start3A_274 = arith.constant 0 : i32
        %dma_start3A_275 = arith.constant 0 : i32
        %dma_start3A_276 = tpu.memref_slice %arg7[%dma_start3A_273, %dma_start3A_274, %dma_start3A_275] : memref<5x40x128xf32, #tpu.memory_space<vmem>> -> memref<1x40x128xf32, #tpu.memory_space<vmem>>
        %dma_start3A_277 = tpu.memref_squeeze %dma_start3A_276 : memref<1x40x128xf32, #tpu.memory_space<vmem>> -> memref<40x128xf32, #tpu.memory_space<vmem>>
        %dma_start3A_278 = arith.constant 0 : i32
        %dma_start3A_279 = tpu.memref_slice %arg6[%add3A_272, %dma_start3A_278] : memref<640x40xi32, #tpu.memory_space<vmem>> -> memref<1x40xi32, #tpu.memory_space<vmem>>
        %dma_start3A_280 = tpu.memref_squeeze %dma_start3A_279 : memref<1x40xi32, #tpu.memory_space<vmem>> -> memref<40xi32, #tpu.memory_space<vmem>>
        %dma_start3A_281 = arith.constant 0 : i32
        %dma_start3A_282 = arith.constant 0 : i32
        %dma_start3A_283 = tpu.memref_slice %arg3[%dma_start3A_281, %dma_start3A_282] : memref<100000x128xf32, #tpu.memory_space<hbm>> -> memref<100000x128xf32, #tpu.memory_space<hbm>>
        tpu.enqueue_indirect_dma source(%dma_start3A_283 : memref<100000x128xf32, #tpu.memory_space<hbm>>) target(%dma_start3A_277 : memref<40x128xf32, #tpu.memory_space<vmem>>) offsets(%dma_start3A_280 : memref<40xi32, #tpu.memory_space<vmem>>) semaphore(%arg13 : memref<!tpu.dma_semaphore, #tpu.memory_space<semaphore_mem>>)
      } else {
      }
      %dma_wait3A_201 = arith.constant 4 : i32
      %dma_wait3A_202 = arith.constant 0 : i32
      %dma_wait3A_203 = arith.constant 0 : i32
      %dma_wait3A_204 = tpu.memref_slice %arg7[%dma_wait3A_201, %dma_wait3A_202, %dma_wait3A_203] : memref<5x40x128xf32, #tpu.memory_space<vmem>> -> memref<1x40x128xf32, #tpu.memory_space<vmem>>
      %dma_wait3A_205 = tpu.memref_squeeze %dma_wait3A_204 : memref<1x40x128xf32, #tpu.memory_space<vmem>> -> memref<40x128xf32, #tpu.memory_space<vmem>>
      %dma_wait3A_206 = arith.constant 0 : i32
      %dma_wait3A_207 = arith.constant 0 : i32
      %dma_wait3A_208 = tpu.memref_slice %arg3[%dma_wait3A_206, %dma_wait3A_207] : memref<100000x128xf32, #tpu.memory_space<hbm>> -> memref<40x128xf32, #tpu.memory_space<hbm>>
      %dma_wait3A_209 = arith.constant 0 : i32
      %dma_wait3A_210 = arith.constant 0 : i32
      %dma_wait3A_211 = tpu.memref_slice %arg7[%dma_wait3A_201, %dma_wait3A_209, %dma_wait3A_210] : memref<5x40x128xf32, #tpu.memory_space<vmem>> -> memref<1x40x128xf32, #tpu.memory_space<vmem>>
      %dma_wait3A_212 = tpu.memref_squeeze %dma_wait3A_211 : memref<1x40x128xf32, #tpu.memory_space<vmem>> -> memref<40x128xf32, #tpu.memory_space<vmem>>
      %dma_wait3A_213 = arith.constant 0 : i32
      %dma_wait3A_214 = arith.constant 0 : i32
      %dma_wait3A_215 = tpu.memref_slice %arg3[%dma_wait3A_213, %dma_wait3A_214] : memref<100000x128xf32, #tpu.memory_space<hbm>> -> memref<40x128xf32, #tpu.memory_space<hbm>>
      tpu.wait_dma2 semaphore(%arg14 : memref<!tpu.dma_semaphore, #tpu.memory_space<semaphore_mem>>) src(%dma_wait3A_215 : memref<40x128xf32, #tpu.memory_space<hbm>>) dst(%dma_wait3A_212 : memref<40x128xf32, #tpu.memory_space<vmem>>)
      %parallel_loop3A_216 = arith.constant 0 : i32
      %parallel_loop3A_217 = arith.constant 40 : i32
      %parallel_loop3A_218 = arith.constant 1 : i32
      %parallel_loop3A_219 = arith.constant 4 : i32
      %parallel_loop3A_220:8 = scf.for %parallel_loop3A_267 = %parallel_loop3A_216 to %parallel_loop3A_217 step %parallel_loop3A_218 iter_args(%parallel_loop3A_268 = %parallel_loop3A_193#0, %parallel_loop3A_269 = %parallel_loop3A_193#1, %parallel_loop3A_270 = %parallel_loop3A_193#2, %parallel_loop3A_271 = %parallel_loop3A_193#3, %parallel_loop3A_272 = %parallel_loop3A_193#4, %parallel_loop3A_273 = %parallel_loop3A_193#5, %parallel_loop3A_274 = %parallel_loop3A_193#6, %parallel_loop3A_275 = %parallel_loop3A_193#7) -> (vector<16xf32>, vector<16xf32>, vector<16xf32>, vector<16xf32>, vector<16xf32>, vector<16xf32>, vector<16xf32>, vector<16xf32>)  : i32 {
        %parallel_loop3A_276 = arith.constant 0 : i32
        %parallel_loop3A_277 = arith.constant 0 : i32
        %parallel_loop3A_278 = tpu.memref_slice %arg7[%parallel_loop3A_219, %parallel_loop3A_276, %parallel_loop3A_277] : memref<5x40x128xf32, #tpu.memory_space<vmem>> -> memref<1x40x128xf32, #tpu.memory_space<vmem>>
        %parallel_loop3A_279 = tpu.memref_squeeze %parallel_loop3A_278 : memref<1x40x128xf32, #tpu.memory_space<vmem>> -> memref<40x128xf32, #tpu.memory_space<vmem>>
        %parallel_loop3A_280 = arith.index_cast %parallel_loop3A_267 : i32 to index
        %parallel_loop3A_281 = arith.constant 0 : index
        %parallel_loop3A_282 = tpu.vector_load %parallel_loop3A_279[%parallel_loop3A_280, %parallel_loop3A_281] {strides = array<i32>} : memref<40x128xf32, #tpu.memory_space<vmem>>, vector<1x16xf32>,
        %parallel_loop3A_283 = vector.shape_cast %parallel_loop3A_282 : vector<1x16xf32> to vector<16xf32>
        %parallel_loop3A_284 = arith.addf %parallel_loop3A_268, %parallel_loop3A_283 : vector<16xf32>
        %parallel_loop3A_285 = arith.constant 0 : i32
        %parallel_loop3A_286 = arith.constant 0 : i32
        %parallel_loop3A_287 = tpu.memref_slice %arg7[%parallel_loop3A_219, %parallel_loop3A_285, %parallel_loop3A_286] : memref<5x40x128xf32, #tpu.memory_space<vmem>> -> memref<1x40x128xf32, #tpu.memory_space<vmem>>
        %parallel_loop3A_288 = tpu.memref_squeeze %parallel_loop3A_287 : memref<1x40x128xf32, #tpu.memory_space<vmem>> -> memref<40x128xf32, #tpu.memory_space<vmem>>
        %parallel_loop3A_289 = arith.index_cast %parallel_loop3A_267 : i32 to index
        %parallel_loop3A_290 = arith.constant 16 : index
        %parallel_loop3A_291 = tpu.vector_load %parallel_loop3A_288[%parallel_loop3A_289, %parallel_loop3A_290] {strides = array<i32>} : memref<40x128xf32, #tpu.memory_space<vmem>>, vector<1x16xf32>,
        %parallel_loop3A_292 = vector.shape_cast %parallel_loop3A_291 : vector<1x16xf32> to vector<16xf32>
        %parallel_loop3A_293 = arith.addf %parallel_loop3A_269, %parallel_loop3A_292 : vector<16xf32>
        %parallel_loop3A_294 = arith.constant 0 : i32
        %parallel_loop3A_295 = arith.constant 0 : i32
        %parallel_loop3A_296 = tpu.memref_slice %arg7[%parallel_loop3A_219, %parallel_loop3A_294, %parallel_loop3A_295] : memref<5x40x128xf32, #tpu.memory_space<vmem>> -> memref<1x40x128xf32, #tpu.memory_space<vmem>>
        %parallel_loop3A_297 = tpu.memref_squeeze %parallel_loop3A_296 : memref<1x40x128xf32, #tpu.memory_space<vmem>> -> memref<40x128xf32, #tpu.memory_space<vmem>>
        %parallel_loop3A_298 = arith.index_cast %parallel_loop3A_267 : i32 to index
        %parallel_loop3A_299 = arith.constant 32 : index
        %parallel_loop3A_300 = tpu.vector_load %parallel_loop3A_297[%parallel_loop3A_298, %parallel_loop3A_299] {strides = array<i32>} : memref<40x128xf32, #tpu.memory_space<vmem>>, vector<1x16xf32>,
        %parallel_loop3A_301 = vector.shape_cast %parallel_loop3A_300 : vector<1x16xf32> to vector<16xf32>
        %parallel_loop3A_302 = arith.addf %parallel_loop3A_270, %parallel_loop3A_301 : vector<16xf32>
        %parallel_loop3A_303 = arith.constant 0 : i32
        %parallel_loop3A_304 = arith.constant 0 : i32
        %parallel_loop3A_305 = tpu.memref_slice %arg7[%parallel_loop3A_219, %parallel_loop3A_303, %parallel_loop3A_304] : memref<5x40x128xf32, #tpu.memory_space<vmem>> -> memref<1x40x128xf32, #tpu.memory_space<vmem>>
        %parallel_loop3A_306 = tpu.memref_squeeze %parallel_loop3A_305 : memref<1x40x128xf32, #tpu.memory_space<vmem>> -> memref<40x128xf32, #tpu.memory_space<vmem>>
        %parallel_loop3A_307 = arith.index_cast %parallel_loop3A_267 : i32 to index
        %parallel_loop3A_308 = arith.constant 48 : index
        %parallel_loop3A_309 = tpu.vector_load %parallel_loop3A_306[%parallel_loop3A_307, %parallel_loop3A_308] {strides = array<i32>} : memref<40x128xf32, #tpu.memory_space<vmem>>, vector<1x16xf32>,
        %parallel_loop3A_310 = vector.shape_cast %parallel_loop3A_309 : vector<1x16xf32> to vector<16xf32>
        %parallel_loop3A_311 = arith.addf %parallel_loop3A_271, %parallel_loop3A_310 : vector<16xf32>
        %parallel_loop3A_312 = arith.constant 0 : i32
        %parallel_loop3A_313 = arith.constant 0 : i32
        %parallel_loop3A_314 = tpu.memref_slice %arg7[%parallel_loop3A_219, %parallel_loop3A_312, %parallel_loop3A_313] : memref<5x40x128xf32, #tpu.memory_space<vmem>> -> memref<1x40x128xf32, #tpu.memory_space<vmem>>
        %parallel_loop3A_315 = tpu.memref_squeeze %parallel_loop3A_314 : memref<1x40x128xf32, #tpu.memory_space<vmem>> -> memref<40x128xf32, #tpu.memory_space<vmem>>
        %parallel_loop3A_316 = arith.index_cast %parallel_loop3A_267 : i32 to index
        %parallel_loop3A_317 = arith.constant 64 : index
        %parallel_loop3A_318 = tpu.vector_load %parallel_loop3A_315[%parallel_loop3A_316, %parallel_loop3A_317] {strides = array<i32>} : memref<40x128xf32, #tpu.memory_space<vmem>>, vector<1x16xf32>,
        %parallel_loop3A_319 = vector.shape_cast %parallel_loop3A_318 : vector<1x16xf32> to vector<16xf32>
        %parallel_loop3A_320 = arith.addf %parallel_loop3A_272, %parallel_loop3A_319 : vector<16xf32>
        %parallel_loop3A_321 = arith.constant 0 : i32
        %parallel_loop3A_322 = arith.constant 0 : i32
        %parallel_loop3A_323 = tpu.memref_slice %arg7[%parallel_loop3A_219, %parallel_loop3A_321, %parallel_loop3A_322] : memref<5x40x128xf32, #tpu.memory_space<vmem>> -> memref<1x40x128xf32, #tpu.memory_space<vmem>>
        %parallel_loop3A_324 = tpu.memref_squeeze %parallel_loop3A_323 : memref<1x40x128xf32, #tpu.memory_space<vmem>> -> memref<40x128xf32, #tpu.memory_space<vmem>>
        %parallel_loop3A_325 = arith.index_cast %parallel_loop3A_267 : i32 to index
        %parallel_loop3A_326 = arith.constant 80 : index
        %parallel_loop3A_327 = tpu.vector_load %parallel_loop3A_324[%parallel_loop3A_325, %parallel_loop3A_326] {strides = array<i32>} : memref<40x128xf32, #tpu.memory_space<vmem>>, vector<1x16xf32>,
        %parallel_loop3A_328 = vector.shape_cast %parallel_loop3A_327 : vector<1x16xf32> to vector<16xf32>
        %parallel_loop3A_329 = arith.addf %parallel_loop3A_273, %parallel_loop3A_328 : vector<16xf32>
        %parallel_loop3A_330 = arith.constant 0 : i32
        %parallel_loop3A_331 = arith.constant 0 : i32
        %parallel_loop3A_332 = tpu.memref_slice %arg7[%parallel_loop3A_219, %parallel_loop3A_330, %parallel_loop3A_331] : memref<5x40x128xf32, #tpu.memory_space<vmem>> -> memref<1x40x128xf32, #tpu.memory_space<vmem>>
        %parallel_loop3A_333 = tpu.memref_squeeze %parallel_loop3A_332 : memref<1x40x128xf32, #tpu.memory_space<vmem>> -> memref<40x128xf32, #tpu.memory_space<vmem>>
        %parallel_loop3A_334 = arith.index_cast %parallel_loop3A_267 : i32 to index
        %parallel_loop3A_335 = arith.constant 96 : index
        %parallel_loop3A_336 = tpu.vector_load %parallel_loop3A_333[%parallel_loop3A_334, %parallel_loop3A_335] {strides = array<i32>} : memref<40x128xf32, #tpu.memory_space<vmem>>, vector<1x16xf32>,
        %parallel_loop3A_337 = vector.shape_cast %parallel_loop3A_336 : vector<1x16xf32> to vector<16xf32>
        %parallel_loop3A_338 = arith.addf %parallel_loop3A_274, %parallel_loop3A_337 : vector<16xf32>
        %parallel_loop3A_339 = arith.constant 0 : i32
        %parallel_loop3A_340 = arith.constant 0 : i32
        %parallel_loop3A_341 = tpu.memref_slice %arg7[%parallel_loop3A_219, %parallel_loop3A_339, %parallel_loop3A_340] : memref<5x40x128xf32, #tpu.memory_space<vmem>> -> memref<1x40x128xf32, #tpu.memory_space<vmem>>
        %parallel_loop3A_342 = tpu.memref_squeeze %parallel_loop3A_341 : memref<1x40x128xf32, #tpu.memory_space<vmem>> -> memref<40x128xf32, #tpu.memory_space<vmem>>
        %parallel_loop3A_343 = arith.index_cast %parallel_loop3A_267 : i32 to index
        %parallel_loop3A_344 = arith.constant 112 : index
        %parallel_loop3A_345 = tpu.vector_load %parallel_loop3A_342[%parallel_loop3A_343, %parallel_loop3A_344] {strides = array<i32>} : memref<40x128xf32, #tpu.memory_space<vmem>>, vector<1x16xf32>,
        %parallel_loop3A_346 = vector.shape_cast %parallel_loop3A_345 : vector<1x16xf32> to vector<16xf32>
        %parallel_loop3A_347 = arith.addf %parallel_loop3A_275, %parallel_loop3A_346 : vector<16xf32>
        scf.yield %parallel_loop3A_284, %parallel_loop3A_293, %parallel_loop3A_302, %parallel_loop3A_311, %parallel_loop3A_320, %parallel_loop3A_329, %parallel_loop3A_338, %parallel_loop3A_347 : vector<16xf32>, vector<16xf32>, vector<16xf32>, vector<16xf32>, vector<16xf32>, vector<16xf32>, vector<16xf32>, vector<16xf32>
      } {sc.loop_unroll_factor = 8 : i64, sc.parallel_access}
      %add3A_221 = arith.constant 1 : i32
      %add3A_222 = arith.addi %add3A_97, %add3A_221 : i32
      %lt3A_223 = arith.constant 128 : i32
      %lt3A_224 = arith.cmpi slt, %add3A_222, %lt3A_223 : i32
      %convert_element_type3A_225 = arith.extui %lt3A_224 : i1 to i32
      %cond3A_226 = arith.constant 0 : i32
      %cond3A_227 = arith.cmpi ne, %convert_element_type3A_225, %cond3A_226 : i32
      scf.if %cond3A_227 {
        %add3A_267 = arith.constant 1 : i32
        %add3A_268 = arith.addi %add3A_97, %add3A_267 : i32
        %mul3A_269 = arith.constant 5 : i32
        %mul3A_270 = arith.muli %add3A_268, %mul3A_269 : i32
        %add3A_271 = arith.constant 4 : i32
        %add3A_272 = arith.addi %mul3A_270, %add3A_271 : i32
        %dma_start3A_273 = arith.constant 4 : i32
        %dma_start3A_274 = arith.constant 0 : i32
        %dma_start3A_275 = arith.constant 0 : i32
        %dma_start3A_276 = tpu.memref_slice %arg7[%dma_start3A_273, %dma_start3A_274, %dma_start3A_275] : memref<5x40x128xf32, #tpu.memory_space<vmem>> -> memref<1x40x128xf32, #tpu.memory_space<vmem>>
        %dma_start3A_277 = tpu.memref_squeeze %dma_start3A_276 : memref<1x40x128xf32, #tpu.memory_space<vmem>> -> memref<40x128xf32, #tpu.memory_space<vmem>>
        %dma_start3A_278 = arith.constant 0 : i32
        %dma_start3A_279 = tpu.memref_slice %arg6[%add3A_272, %dma_start3A_278] : memref<640x40xi32, #tpu.memory_space<vmem>> -> memref<1x40xi32, #tpu.memory_space<vmem>>
        %dma_start3A_280 = tpu.memref_squeeze %dma_start3A_279 : memref<1x40xi32, #tpu.memory_space<vmem>> -> memref<40xi32, #tpu.memory_space<vmem>>
        %dma_start3A_281 = arith.constant 0 : i32
        %dma_start3A_282 = arith.constant 0 : i32
        %dma_start3A_283 = tpu.memref_slice %arg3[%dma_start3A_281, %dma_start3A_282] : memref<100000x128xf32, #tpu.memory_space<hbm>> -> memref<100000x128xf32, #tpu.memory_space<hbm>>
        tpu.enqueue_indirect_dma source(%dma_start3A_283 : memref<100000x128xf32, #tpu.memory_space<hbm>>) target(%dma_start3A_277 : memref<40x128xf32, #tpu.memory_space<vmem>>) offsets(%dma_start3A_280 : memref<40xi32, #tpu.memory_space<vmem>>) semaphore(%arg14 : memref<!tpu.dma_semaphore, #tpu.memory_space<semaphore_mem>>)
      } else {
      }
      %swap3A = arith.index_cast %add3A_97 : i32 to index
      %swap3A_228 = arith.constant 0 : index
      %swap3A_229 = tpu.vector_load %arg8[%swap3A, %swap3A_228] {strides = array<i32>} : memref<128x128xf32, #tpu.memory_space<vmem>>, vector<1x16xf32>,
      %swap3A_230 = vector.shape_cast %swap3A_229 : vector<1x16xf32> to vector<16xf32>
      %swap3A_231 = vector.shape_cast %parallel_loop3A_220#0 : vector<16xf32> to vector<1x16xf32>
      tpu.vector_store %arg8[%swap3A, %swap3A_228], %swap3A_231 {strides = array<i32>} : memref<128x128xf32, #tpu.memory_space<vmem>>, vector<1x16xf32>,
      %swap3A_232 = arith.index_cast %add3A_97 : i32 to index
      %swap3A_233 = arith.constant 16 : index
      %swap3A_234 = tpu.vector_load %arg8[%swap3A_232, %swap3A_233] {strides = array<i32>} : memref<128x128xf32, #tpu.memory_space<vmem>>, vector<1x16xf32>,
      %swap3A_235 = vector.shape_cast %swap3A_234 : vector<1x16xf32> to vector<16xf32>
      %swap3A_236 = vector.shape_cast %parallel_loop3A_220#1 : vector<16xf32> to vector<1x16xf32>
      tpu.vector_store %arg8[%swap3A_232, %swap3A_233], %swap3A_236 {strides = array<i32>} : memref<128x128xf32, #tpu.memory_space<vmem>>, vector<1x16xf32>,
      %swap3A_237 = arith.index_cast %add3A_97 : i32 to index
      %swap3A_238 = arith.constant 32 : index
      %swap3A_239 = tpu.vector_load %arg8[%swap3A_237, %swap3A_238] {strides = array<i32>} : memref<128x128xf32, #tpu.memory_space<vmem>>, vector<1x16xf32>,
      %swap3A_240 = vector.shape_cast %swap3A_239 : vector<1x16xf32> to vector<16xf32>
      %swap3A_241 = vector.shape_cast %parallel_loop3A_220#2 : vector<16xf32> to vector<1x16xf32>
      tpu.vector_store %arg8[%swap3A_237, %swap3A_238], %swap3A_241 {strides = array<i32>} : memref<128x128xf32, #tpu.memory_space<vmem>>, vector<1x16xf32>,
      %swap3A_242 = arith.index_cast %add3A_97 : i32 to index
      %swap3A_243 = arith.constant 48 : index
      %swap3A_244 = tpu.vector_load %arg8[%swap3A_242, %swap3A_243] {strides = array<i32>} : memref<128x128xf32, #tpu.memory_space<vmem>>, vector<1x16xf32>,
      %swap3A_245 = vector.shape_cast %swap3A_244 : vector<1x16xf32> to vector<16xf32>
      %swap3A_246 = vector.shape_cast %parallel_loop3A_220#3 : vector<16xf32> to vector<1x16xf32>
      tpu.vector_store %arg8[%swap3A_242, %swap3A_243], %swap3A_246 {strides = array<i32>} : memref<128x128xf32, #tpu.memory_space<vmem>>, vector<1x16xf32>,
      %swap3A_247 = arith.index_cast %add3A_97 : i32 to index
      %swap3A_248 = arith.constant 64 : index
      %swap3A_249 = tpu.vector_load %arg8[%swap3A_247, %swap3A_248] {strides = array<i32>} : memref<128x128xf32, #tpu.memory_space<vmem>>, vector<1x16xf32>,
      %swap3A_250 = vector.shape_cast %swap3A_249 : vector<1x16xf32> to vector<16xf32>
      %swap3A_251 = vector.shape_cast %parallel_loop3A_220#4 : vector<16xf32> to vector<1x16xf32>
      tpu.vector_store %arg8[%swap3A_247, %swap3A_248], %swap3A_251 {strides = array<i32>} : memref<128x128xf32, #tpu.memory_space<vmem>>, vector<1x16xf32>,
      %swap3A_252 = arith.index_cast %add3A_97 : i32 to index
      %swap3A_253 = arith.constant 80 : index
      %swap3A_254 = tpu.vector_load %arg8[%swap3A_252, %swap3A_253] {strides = array<i32>} : memref<128x128xf32, #tpu.memory_space<vmem>>, vector<1x16xf32>,
      %swap3A_255 = vector.shape_cast %swap3A_254 : vector<1x16xf32> to vector<16xf32>
      %swap3A_256 = vector.shape_cast %parallel_loop3A_220#5 : vector<16xf32> to vector<1x16xf32>
      tpu.vector_store %arg8[%swap3A_252, %swap3A_253], %swap3A_256 {strides = array<i32>} : memref<128x128xf32, #tpu.memory_space<vmem>>, vector<1x16xf32>,
      %swap3A_257 = arith.index_cast %add3A_97 : i32 to index
      %swap3A_258 = arith.constant 96 : index
      %swap3A_259 = tpu.vector_load %arg8[%swap3A_257, %swap3A_258] {strides = array<i32>} : memref<128x128xf32, #tpu.memory_space<vmem>>, vector<1x16xf32>,
      %swap3A_260 = vector.shape_cast %swap3A_259 : vector<1x16xf32> to vector<16xf32>
      %swap3A_261 = vector.shape_cast %parallel_loop3A_220#6 : vector<16xf32> to vector<1x16xf32>
      tpu.vector_store %arg8[%swap3A_257, %swap3A_258], %swap3A_261 {strides = array<i32>} : memref<128x128xf32, #tpu.memory_space<vmem>>, vector<1x16xf32>,
      %swap3A_262 = arith.index_cast %add3A_97 : i32 to index
      %swap3A_263 = arith.constant 112 : index
      %swap3A_264 = tpu.vector_load %arg8[%swap3A_262, %swap3A_263] {strides = array<i32>} : memref<128x128xf32, #tpu.memory_space<vmem>>, vector<1x16xf32>,
      %swap3A_265 = vector.shape_cast %swap3A_264 : vector<1x16xf32> to vector<16xf32>
      %swap3A_266 = vector.shape_cast %parallel_loop3A_220#7 : vector<16xf32> to vector<1x16xf32>
      tpu.vector_store %arg8[%swap3A_262, %swap3A_263], %swap3A_266 {strides = array<i32>} : memref<128x128xf32, #tpu.memory_space<vmem>>, vector<1x16xf32>,
    }
    %scan3A_90 = arith.constant 128 : i32
    "tpu.region"() ({
      %run_scoped3A = tpu.sem_alloc : memref<!tpu.dma_semaphore, #tpu.memory_space<semaphore_mem>>
      %dma_start3A_91 = arith.constant 0 : i32
      %dma_start3A_92 = tpu.memref_slice %arg5[%mul3A_2, %dma_start3A_91] : memref<4096x128xf32, #tpu.memory_space<hbm>> -> memref<128x128xf32, #tpu.memory_space<hbm>>
      %dma_start3A_93 = arith.constant 0 : i32
      %dma_start3A_94 = tpu.memref_slice %arg5[%mul3A_2, %dma_start3A_93] : memref<4096x128xf32, #tpu.memory_space<hbm>> -> memref<128x128xf32, #tpu.memory_space<hbm>>
      tpu.enqueue_dma source(%arg8 : memref<128x128xf32, #tpu.memory_space<vmem>>) target(%dma_start3A_94 : memref<128x128xf32, #tpu.memory_space<hbm>>) target_semaphore(%run_scoped3A : memref<!tpu.dma_semaphore, #tpu.memory_space<semaphore_mem>>)
      %dma_wait3A = arith.constant 0 : i32
      %dma_wait3A_95 = tpu.memref_slice %arg5[%mul3A_2, %dma_wait3A] : memref<4096x128xf32, #tpu.memory_space<hbm>> -> memref<128x128xf32, #tpu.memory_space<hbm>>
      %dma_wait3A_96 = arith.constant 0 : i32
      %dma_wait3A_97 = tpu.memref_slice %arg5[%mul3A_2, %dma_wait3A_96] : memref<4096x128xf32, #tpu.memory_space<hbm>> -> memref<128x128xf32, #tpu.memory_space<hbm>>
      tpu.wait_dma2 semaphore(%run_scoped3A : memref<!tpu.dma_semaphore, #tpu.memory_space<semaphore_mem>>) src(%arg8 : memref<128x128xf32, #tpu.memory_space<vmem>>) dst(%dma_wait3A_97 : memref<128x128xf32, #tpu.memory_space<hbm>>)
      tpu.yield
    }) : () -> ()
    return
  }
}

</mosaic_0001>

<sc_bundles>
// kernel: kernel.3.cloned.1.call-start
scs
__scs_entry_jumppad:
0x0: {  	(pc) =	sbr.rel $0x88, $3  }
0x1: {  	(tag) =	ssettag $0x0;
	lr =	simm.s32 $0x1  }
0x2: {  	[smem:$0x3F9E] =	sst lr;
	_ =	strace $0xD0000000  }
0x3: {  	_ = 	snop  }
0x4: {  	_ = 	snop  }
0x5: {  	_ = 	snop  }
0x6: {  	_ = 	snop  }
0x7: {  	_ = 	snop  }
__scs_overlays_trampoline_lowered:
0x8: {  	[smem:$0x3FAD] =	sst s0  }
0x9: {  	[smem:$0x3FAE] =	sst s1  }
0xa: {  	[smem:$0x3FAF] =	sst s2  }
0xb: {  	[smem:$0x3FB0] =	sst s3  }
0xc: {  	[smem:$0x3FB1] =	sst s4  }
0xd: {  	[smem:$0x3FB2] =	sst s5  }
0xe: {  	[smem:$0x3FB3] =	sst s6  }
0xf: {  	[smem:$0x3FB4] =	sst s7  }
0x10: {  	[smem:$0x3FB5] =	sst s8  }
0x11: {  	[smem:$0x3FB6] =	sst s9;
	s0 =	simm.s32 @!p0 $0x0  }
0x12: {  	s1 =	sld [smem:$0x3F9C];
	s0 =	simm.s32 @p0 $0x1  }
0x13: {  	[smem:$0x3FB7] =	sst s0;
	s0 =	simm.s32 @!p1 $0x0  }
0x14: {  	s2 =	sld [smem:$0x3F9B];
	s0 =	simm.s32 @p1 $0x1  }
0x15: {  	[smem:$0x3FB8] =	sst s0;
	s0 =	simm.s32 @!p2 $0x0  }
0x16: {  	s3 =	sld [smem:$0x3FDB];
	s0 =	simm.s32 @p2 $0x1  }
0x17: {  	s4 =	simm.s32 $0x1BF5;
	[smem:$0x3FBA] =	sst s0  }
0x18: {  	s0 =	sld [smem:$0x3F9D];
	_ =	swait.ge [sflag:s4], $0x0  }
0x19: {  	s7 =	sld [smem:$0x3F9E]  }
0x1a: {  	s8 =	sadd.s32 $0xFFFFE003, lr  }
0x1b: {  	s9 =	sadd.s32 $0xFFFFFEF7, lr;
	s5 =	simm.s32 $0xFFFFFFFF;
	p2 =	slt.u32 s8, $0xFFFFF086  }
0x1c: {  	p1 =	slt.u32 s9, $0xF7A;
	s5 =	simm.s32 @!p2 $0x0  }
0x1d: {  	s5 =	simm.s32 @p1 $0x1;
	p0 =	seq.s32 s7, s2  }
0x1e: {  	s7 =	smul.u32 @!p0 $0xF7A, s2;
	p2 =	seq.s32 @!p0 s5, $0x0  }
0x1f: {  	s9 =	smul.u32 $0xF7A, s1;
	s8 =	simm.s32 @!p0 $0x1BF5;
	p2 =	por !p2, p0  }
0x20: {  	[sflag:s8] =	ssyncset.s32 @!p0 $0xFFFFF086;
	s6 =	sadd.s32 @!p0 s3, s7;
	s7 =	simm.s32 @!p0 $0x108  }
0x21: {  	s3 =	sadd.s32 s3, s9;
	s6 =	sadd.s32 @!p0 $0x88, s6;
	s7 =	simm.s32 @p2 $0x1082  }
0x22: {  	[simem:s7], [sflag:s8] =	dma.local @!p0 [hbm:s6], $0xF7A  }
0x23: {  	s9 =	sor.u32 $0xD0000000, s2;
	s6 =	simm.s32 $0x108;
	_ =	swait.ge @!p0 [sflag:s8], $0x0  }
0x24: {  	s3 =	sadd.s32 $0x88, s3;
	s6 =	simm.s32 @!p1 $0x1082;
	[sflag:s4] =	ssyncset.s32 $0xFFFFF086  }
0x25: {  	[simem:s6], [sflag:s4] =	dma.local [hbm:s3], $0xF7A  }
0x26: {  	[smem:$0x3F9E] =	sst s1;
	(tag) =	ssettag s2;
	_ =	strace s9  }
0x27: {  	s1 =	sld [smem:$0x3FAE]  }
0x28: {  	s2 =	sld [smem:$0x3FAF]  }
0x29: {  	s4 =	sld [smem:$0x3FB1]  }
0x2a: {  	p0 =	seq.s32 s5, $0x0;
	s5 =	sld [smem:$0x3FB2]  }
0x2b: {  	s6 =	sld [smem:$0x3FB3]  }
0x2c: {  	s7 =	sld [smem:$0x3FB4]  }
0x2d: {  	s3 =	simm.s32 $0x108;
	s8 =	sld [smem:$0x3FB5]  }
0x2e: {  	s3 =	simm.s32 @!p0 $0x1082;
	s9 =	sld [smem:$0x3FB6]  }
0x2f: {  	lr =	sadd.s32 s0, s3;
	s0 =	sld [smem:$0x3FAD]  }
0x30: {  	s3 =	sld [smem:$0x3FB0]  }
0x31: {  	[smem:$0x3FB9] =	sst s10  }
0x32: {  	s10 =	sld [smem:$0x3FB7];
	_ =	sdelay $0x3  }
0x33: {  	p0 =	seq.s32 s10, $0x1;
	s10 =	sld [smem:$0x3FB9];
	_ =	sdelay $0x3  }
0x34: {  	[smem:$0x3FB9] =	sst s10  }
0x35: {  	s10 =	sld [smem:$0x3FB8];
	_ =	sdelay $0x3  }
0x36: {  	p1 =	seq.s32 s10, $0x1;
	s10 =	sld [smem:$0x3FB9];
	_ =	sdelay $0x3  }
0x37: {  	[smem:$0x3FB9] =	sst s10  }
0x38: {  	s10 =	sld [smem:$0x3FBA]  }
0x39: {  	_ = 	snop;
	(pc) =	sbr.ind lr, $3  }
0x3a: {  	_ = 	snop  }
0x3b: {  	_ = 	snop  }
0x3c: {  	p2 =	seq.s32 s10, $0x1;
	s10 =	sld [smem:$0x3FB9]  }
0x3d: {  	_ =	shalt  }
0x3e: {  	_ =	shalt  }
0x3f: {  	_ =	shalt  }
0x40: {  	_ =	shalt  }
0x41: {  	_ =	shalt  }
0x42: {  	_ =	shalt  }
0x43: {  	_ =	shalt  }
0x44: {  	_ =	shalt  }
0x45: {  	_ =	shalt  }
0x46: {  	_ =	shalt  }
0x47: {  	_ =	shalt  }
0x48: {  	_ =	shalt  }
0x49: {  	_ =	shalt  }
0x4a: {  	_ =	shalt  }
0x4b: {  	_ =	shalt  }
0x4c: {  	_ =	shalt  }
0x4d: {  	_ =	shalt  }
0x4e: {  	_ =	shalt  }
0x4f: {  	_ =	shalt  }
0x50: {  	_ =	shalt  }
0x51: {  	_ =	shalt  }
0x52: {  	_ =	shalt  }
0x53: {  	_ =	shalt  }
0x54: {  	_ =	shalt  }
0x55: {  	_ =	shalt  }
0x56: {  	_ =	shalt  }
0x57: {  	_ =	shalt  }
0x58: {  	_ =	shalt  }
0x59: {  	_ =	shalt  }
0x5a: {  	_ =	shalt  }
0x5b: {  	_ =	shalt  }
0x5c: {  	_ =	shalt  }
0x5d: {  	_ =	shalt  }
0x5e: {  	_ =	shalt  }
0x5f: {  	_ =	shalt  }
0x60: {  	_ =	shalt  }
0x61: {  	_ =	shalt  }
0x62: {  	_ =	shalt  }
0x63: {  	_ =	shalt  }
0x64: {  	_ =	shalt  }
0x65: {  	_ =	shalt  }
0x66: {  	_ =	shalt  }
0x67: {  	_ =	shalt  }
0x68: {  	_ =	shalt  }
0x69: {  	_ =	shalt  }
0x6a: {  	_ =	shalt  }
0x6b: {  	_ =	shalt  }
0x6c: {  	_ =	shalt  }
0x6d: {  	_ =	shalt  }
0x6e: {  	_ =	shalt  }
0x6f: {  	_ =	shalt  }
0x70: {  	_ =	shalt  }
0x71: {  	_ =	shalt  }
0x72: {  	_ =	shalt  }
0x73: {  	_ =	shalt  }
0x74: {  	_ =	shalt  }
0x75: {  	_ =	shalt  }
0x76: {  	_ =	shalt  }
0x77: {  	_ =	shalt  }
0x78: {  	_ =	shalt  }
0x79: {  	_ =	shalt  }
0x7a: {  	_ =	shalt  }
0x7b: {  	_ =	shalt  }
0x7c: {  	_ =	shalt  }
0x7d: {  	_ =	shalt  }
0x7e: {  	_ =	shalt  }
0x7f: {  	_ =	shalt  }
0x80: {  	_ =	shalt  }
0x81: {  	_ =	shalt  }
0x82: {  	_ =	shalt  }
0x83: {  	_ =	shalt  }
0x84: {  	_ =	shalt  }
0x85: {  	_ =	shalt  }
0x86: {  	_ =	shalt  }
0x87: {  	_ =	shalt  }
.Lfunc_end0:
.L_simem_size_0:
called_computation_lowered:
.L_overlay_start_0:
0x88: {  	s2 =	sld [smem:$0x3FD9]  }
0x89: {  	s3 =	sld [smem:$0x3FFE];
	_ =	sdelay $0x1  }
0x8a: {  	s1 =	srdreg.scid  }
0x8b: {  	s0 =	sand.u32 $0x1, s1  }
0x8c: {  	s17 =	sshll.u32 s0, $0xA;
	s2 =	sadd.s32 s3, s2  }
0x8d: {  	s2 =	sadd.s32 s2, s17  }
0x8e: {  	[smem:$0x3FC5] =	sst s2  }
0x8f: {  	_ = 	snop  }
0x90: {  	s2 =	sld [smem:$0x3FC8]  }
0x91: {  	s18 =	sld [smem:$0x3FC7]  }
0x92: {  	s4 =	sld [smem:$0x3FD0];
	(tm) =	ssettm $0x1  }
0x93: {  	s5 =	sld [smem:$0x3FFB];
	_ =	sdelay $0x3  }
0x94: {  	_ =	strace s5  }
0x95: {  	s5 =	sld [smem:$0x3FFC];
	_ =	sdelay $0x3  }
0x96: {  	_ =	strace s5  }
0x97: {  	s5 =	sld [smem:$0x3FFD];
	_ =	sdelay $0x3  }
0x98: {  	_ =	strace s5  }
0x99: {  	_ =	strace $0x8FFFFFFF  }
0x9a: {  	s19 =	sld [smem:$0x3FDB];
	_ =	sdelay $0x1  }
0x9b: {  	s6 =	simm.s32 $_scs_section_size  }
0x9c: {  	s7 =	simm.s32 $_size__tile_overlayer_lowered;
	s8 =	simm.s32 $_tile_overlayer_lowered  }
0x9d: {  	s22 =	simm.s32 $0x1BFF;
	s21 =	sshll.u32 s8, $0x1;
	s5 =	sadd.s32 s6, s19  }
0x9e: {  	s9 =	simm.s32 $0x0;
	s20 =	sshll.u32 s7, $0x1;
	s7 =	sadd.s32 s21, s5  }
0x9f: {  	[timem:s9], [sflag:s22] =	dma.local [hbm:s7], s20  }
0xa0: {  	_ =	swait.ge [sflag:s22], s20  }
0xa1: {  	s6 =	ssub.s32 $0x0, s20;
	[sflag:s22] =	ssyncset.done $0x0  }
0xa2: {  	[sflag:s22] =	ssyncadd.s32 s6;
	_ =	sdelay $0x1  }
0xa3: {  	s23 =	simm.s32 $0x1B8B  }
0xa4: {  	_ =	swait.ge [sflag:s23], $0x1  }
0xa5: {  	[sflag:s23] =	ssyncset.done $0x0  }
0xa6: {  	s25 =	simm.s32 $0x1B8E;
	s24 =	sld [smem:$0x3FFE];
	[sflag:s23] =	ssyncadd.s32 $0xFFFFFFFF  }
0xa7: {  	s26 =	simm.s32 $execute0_lowered;
	[smem:$0x3FD2] =	sst s25  }
0xa8: {  	s7 =	sshll.u32 s26, $0x1;
	_ =	strace $0x80000046;
	[dreg:$0x1] =	wrdreg $0xFFFFFFFF  }
0xa9: {  	s28 =	simm.s32 $_size_execute0_lowered;
	s5 =	sadd.s32 s5, s7;
	[dreg:$0x0] =	wrdreg $0x0  }
0xaa: {  	s7 =	sshll.u32 s28, $0x1;
	[dreg:$0x2] =	wrdreg s5  }
0xab: {  	[dreg:$0x3] =	wrdreg s7  }
0xac: {  	[dreg:$0x4] =	wrdreg $0xC0  }
0xad: {  	_ =	task [dreg:s9], $0x5FFFF  }
0xae: {  	[dreg:$0x1] =	wrdreg $0xFFFFFFFF  }
0xaf: {  	[dreg:$0x0] =	wrdreg $0x60  }
0xb0: {  	[dreg:$0x2] =	wrdreg s24  }
0xb1: {  	[dreg:$0x3] =	wrdreg s2  }
0xb2: {  	[dreg:$0x4] =	wrdreg s18  }
0xb3: {  	[dreg:$0x5] =	wrdreg s4  }
0xb4: {  	[dreg:$0x6] =	wrdreg $0x9  }
0xb5: {  	_ =	task.clear_ibuf [dreg:s9], $0x7FFFF;
	_ =	strace $0x90000046  }
0xb6: {  	s29 =	simm.s32 $0x9;
	_ =	strace $0x80000048  }
0xb7: {  	_ =	swait.ge [sflag:s29], $0x1  }
0xb8: {  	[sflag:s29] =	ssyncadd.s32 $0xFFFFFFFF  }
0xb9: {  	_ =	strace $0x90000048  }
0xba: {  	_ =	sfence  }
0xbb: {  	s30 =	sld [smem:$0x0];
	_ =	sdelay $0x2  }
0xbc: {  	s31 =	sshll.u32 s1, $0xD;
	s1 =	sshrl.u32 s1, $0x2  }
0xbd: {  	s3 =	sand.u32 $0x4000, s31;
	s1 =	sadd.s32 s1, s30  }
0xbe: {  	s0 =	sor.u32 s3, s0;
	s1 =	sshll.u32 s1, $0x11  }
0xbf: {  	s0 =	sor.u32 s1, s0  }
0xc0: {  	s0 =	sadd.s32 $0x8F2B, s0  }
0xc1: {  	[sflag:s0] =	ssyncadd.remote.s32 $0x1  }
0xc2: {  	_ =	sfence.sel $0xFFFF  }
0xc3: {  	[dreg:$0x0] =	wrdreg $0xFFFFFFFF;
	(pc) =	sbr.abs _section_cstart, $3  }
0xc4: {  	[dreg:$0x1] =	wrdreg $0xFFFFFFFF  }
0xc5: {  	_ =	task.clear_ibuf [dreg:s9], $0x2FFFF;
	_ =	strace $0x9FFFFFFF  }
0xc6: {  	(tm) =	ssettm $0x7FFFFFFF  }
0xc7: {  	_ =	shalt  }
tec
execute0_lowered:
.L_overlay_start_1:
0x0: {  	(tag) =	ssettag $0x1  }
0x1: {  	s5 =	rddreg [dreg:$0x0]  }
0x2: {  	s1 =	rddreg [dreg:$0x1]  }
0x3: {  	s3 =	rddreg [dreg:$0x2];
	s2 =	srdreg.scid  }
0x4: {  	s0 =	stileid.u32;
	s6 =	rddreg [dreg:$0x3]  }
0x5: {  	s4 =	simm.s32 $0x0;
	s11 =	simm.s32 $0x6400;
	s12 =	simm.s32 $0x7800  }
0x6: {  	s13 =	simm.s32 $0x50;
	s14 =	simm.s32 $0x8C00;
	s15 =	simm.s32 $0x78  }
0x7: {  	s16 =	simm.s32 $0xA000;
	s17 =	simm.s32 $0xA0;
	s18 =	simm.s32 $0xB400  }
0x8: {  	s19 =	simm.s32 $0x1;
	s20 =	simm.s32 $0x2;
	s21 =	simm.s32 $0x3  }
0x9: {  	s22 =	simm.s32 $0x4;
	s23 =	simm.s32 $0x5;
	s24 =	simm.s32 $0xC800  }
0xa: {  	s25 =	simm.s32 $0x0;
	s7 =	sand.u32 $0x1, s2;
	s8 =	sshll.u32 s0, $0x1  }
0xb: {  	[smem:$0x7FF] =	sst s4;
	s8 =	sor.u32 s7, s8;
	s7 =	ssub.s32 $0x2, s7  }
0xc: {  	s9 =	smul.u32 $0xC80, s8;
	s10 =	sshrl.u32 s7, $0x1;
	s8 =	sshll.u32 s8, $0xB  }
0xd: {  	_ =	strace $0x80000047;
	s7 =	ssub.s32 s7, s10;
	s6 =	sadd.s32 s6, s8  }
0xe: {  	s8 =	simm.s32 $0x6;
	s10 =	simm.s32 $0x28;
	s5 =	sadd.s32 s9, s5  }
0xf: {  	s7 =	smax.u32 s7, $0x1;
	s9 =	simm.s32 $0x10800;
	s5 =	sadd.s32 $0x400, s5  }
.LBB2_1:
0x10: {  	[tilespmem:s4], [sflag:$0x6] =	stream.linear.gather [hbm4b:s5+s4], $0x6400, $0x38;
	[tilespmem:$0x10880] =	vst v63  }
0x11: {  	_ =	swait.ge [sflag:s8], $0x6400  }
0x12: {  	[sflag:s8] =	ssyncset.done $0x0  }
0x13: {  	[sflag:s8] =	ssyncadd.s32 $0xFFFF9C00  }
0x14: {  	[tilespmem:s9], [sflag:$0x6] =	stream.linear.gather [hbm4b:s3+s4], $0x80, $0x38;
	[tilespmem:$0x10880] =	vst v63  }
0x15: {  	_ =	swait.ge [sflag:s8], $0x80  }
0x16: {  	[sflag:s8] =	ssyncset.done $0x0  }
0x17: {  	[sflag:s8] =	ssyncadd.s32 $0xFFFFFF80  }
0x18: {  	[tilespmem:s11], [sflag:$0x1] =	stream.indirect.gather [hbm4b:s1+s10], $0x80, s4, s10, $0xb8;
	[tilespmem:$0x10880] =	vst v63  }
0x19: {  	_ = 	snop  }
0x1a: {  	[tilespmem:s12], [sflag:$0x2] =	stream.indirect.gather [hbm4b:s1+s10], $0x80, s10, s10, $0xb8;
	[tilespmem:$0x10880] =	vst v63  }
0x1b: {  	_ = 	snop  }
0x1c: {  	[tilespmem:s14], [sflag:$0x3] =	stream.indirect.gather [hbm4b:s1+s10], $0x80, s13, s10, $0xb8;
	[tilespmem:$0x10880] =	vst v63  }
0x1d: {  	_ = 	snop  }
0x1e: {  	[tilespmem:s16], [sflag:$0x4] =	stream.indirect.gather [hbm4b:s1+s10], $0x80, s15, s10, $0xb8;
	[tilespmem:$0x10880] =	vst v63  }
0x1f: {  	_ = 	snop  }
0x20: {  	[tilespmem:s18], [sflag:$0x5] =	stream.indirect.gather [hbm4b:s1+s10], $0x80, s17, s10, $0xb8;
	[tilespmem:$0x10880] =	vst v63  }
0x21: {  	v0 =	vld [tilespmem:$0x10800]  }
0x22: {  	v1 =	vld [tilespmem:$0x10810]  }
0x23: {  	v2 =	vld [tilespmem:$0x10820]  }
0x24: {  	v3 =	vld [tilespmem:$0x10830]  }
0x25: {  	v4 =	vld [tilespmem:$0x10840]  }
0x26: {  	v5 =	vld [tilespmem:$0x10850]  }
0x27: {  	v6 =	vld [tilespmem:$0x10860]  }
0x28: {  	s26 =	simm.s32 $0x0;
	v7 =	vld [tilespmem:$0x10870]  }
.LBB2_2:
0x29: {  	_ =	swait.ge [sflag:s19], $0x1400  }
0x2a: {  	[sflag:s19] =	ssyncset.done $0x0  }
0x2b: {  	s30 =	simm.s32 $0x0;
	[sflag:s19] =	ssyncadd.s32 $0xFFFFEC00  }
0x2c: {  	v8 =	vld [tilespmem:s30+$0x6470]  }
0x2d: {  	v9 =	vld [tilespmem:s30+$0x6400]  }
0x2e: {  	v10 =	vld [tilespmem:s30+$0x6410]  }
0x2f: {  	v12 =	vld [tilespmem:s30+$0x6420]  }
0x30: {  	v13 =	vld [tilespmem:s30+$0x6430]  }
0x31: {  	v11 =	vld [tilespmem:s30+$0x6440]  }
0x32: {  	v18 =	vmov v2;
	v19 =	vmov v3;
	v17 =	vld [tilespmem:s30+$0x6450];
	v8 =	vadd.f32 v8, v7  }
0x33: {  	s29 =	simm.s32 $0x80;
	s28 =	simm.s32 $0x400;
	v15 =	vmovc v4;
	v16 =	vmovc v5;
	v20 =	vld [tilespmem:s30+$0x6460];
	v14 =	vmov v6;
	v9 =	vadd.f32 v9, v0;
	v10 =	vadd.f32 v10, v1  }
.LBB2_3:
0x34: {  	p0 =	sne.s32 s28, $0x4E00;
	v21 =	vld [tilespmem:s29+$0x6470];
	v18 =	vadd.f32 v12, v18  }
0x35: {  	v22 =	vld [tilespmem:s29+$0x6400];
	v19 =	vadd.f32 v13, v19  }
0x36: {  	v23 =	vld [tilespmem:s29+$0x6410];
	v15 =	vadd.f32 v11, v15  }
.Ltmp0:
0x37: {  	v12 =	vld [tilespmem:s29+$0x6420];
	v16 =	vadd.f32 v17, v16;
	(pc) =	sbr.rel @p0 .LBB2_3-.Ltmp0, $4  }
0x38: {  	v13 =	vld [tilespmem:s29+$0x6430];
	v14 =	vadd.f32 v20, v14  }
0x39: {  	v11 =	vld [tilespmem:s29+$0x6440];
	v8 =	vadd.f32 v21, v8  }
0x3a: {  	v9 =	vadd.f32 v22, v9;
	v17 =	vld [tilespmem:s29+$0x6450]  }
0x3b: {  	v10 =	vadd.f32 v23, v10;
	v20 =	vld [tilespmem:s29+$0x6460];
	s29 =	sshra.s32 s28, $0x2;
	s28 =	sadd.s32 $0x200, s28  }
0x3c: {  	v21 =	vld [tilespmem:s29+$0x6470]  }
0x3d: {  	v22 =	vld [tilespmem:s29+$0x6400]  }
0x3e: {  	v23 =	vld [tilespmem:s29+$0x6410]  }
0x3f: {  	v24 =	vld [tilespmem:s29+$0x6420]  }
0x40: {  	v25 =	vld [tilespmem:s29+$0x6430];
	s28 =	sadd.s32 $0x1, s26;
	p0 =	seq.s32 s26, $0x7F  }
0x41: {  	v26 =	vld [tilespmem:s29+$0x6440];
	s30 =	smul.u32 @!p0 $0x320, s28  }
0x42: {  	v27 =	vld [tilespmem:s29+$0x6450]  }
0x43: {  	v28 =	vld [tilespmem:s29+$0x6460];
	s31 =	simm.s32 @!p0 $0x6400;
	s29 =	sshra.s32 @!p0 s30, $0x2;
	s30 =	simm.s32 @!p0 $0x28  }
0x44: {  	[tilespmem:s31], [sflag:$0x1] =	stream.indirect.gather @!p0 [hbm4b:s1+s30], $0x80, s29, s30, $0xb8;
	[tilespmem:$0x10880] =	vst v63  }
0x45: {  	_ =	swait.ge [sflag:s20], $0x1400  }
0x46: {  	[sflag:s20] =	ssyncset.done $0x0  }
0x47: {  	s2 =	simm.s32 $0x0;
	[sflag:s20] =	ssyncadd.s32 $0xFFFFEC00  }
0x48: {  	v12 =	vadd.f32 v12, v18;
	v13 =	vadd.f32 v13, v19;
	v19 =	vld [tilespmem:s2+$0x7870]  }
0x49: {  	v11 =	vadd.f32 v11, v15;
	v15 =	vadd.f32 v17, v16;
	v29 =	vld [tilespmem:s2+$0x7800]  }
0x4a: {  	v14 =	vadd.f32 v20, v14;
	v20 =	vadd.f32 v21, v8;
	v21 =	vld [tilespmem:s2+$0x7810]  }
0x4b: {  	v22 =	vadd.f32 v22, v9;
	v23 =	vadd.f32 v23, v10;
	v16 =	vld [tilespmem:s2+$0x7820]  }
0x4c: {  	v8 =	vadd.f32 v24, v12;
	v9 =	vadd.f32 v25, v13;
	v17 =	vld [tilespmem:s2+$0x7830]  }
0x4d: {  	v10 =	vadd.f32 v26, v11;
	v11 =	vadd.f32 v27, v15;
	v18 =	vld [tilespmem:s2+$0x7840]  }
0x4e: {  	v12 =	vadd.f32 v28, v14;
	v13 =	vadd.f32 v19, v20;
	v19 =	vld [tilespmem:s2+$0x7850]  }
0x4f: {  	s30 =	simm.s32 $0x80;
	s31 =	simm.s32 $0x400;
	v14 =	vadd.f32 v29, v22;
	v15 =	vadd.f32 v21, v23;
	v20 =	vld [tilespmem:s2+$0x7860]  }
.LBB2_5:
0x50: {  	p1 =	sne.s32 s31, $0x4E00;
	v21 =	vld [tilespmem:s30+$0x7870];
	v8 =	vadd.f32 v16, v8  }
0x51: {  	v22 =	vld [tilespmem:s30+$0x7800];
	v9 =	vadd.f32 v17, v9  }
0x52: {  	v23 =	vld [tilespmem:s30+$0x7810];
	v10 =	vadd.f32 v18, v10  }
.Ltmp1:
0x53: {  	v16 =	vld [tilespmem:s30+$0x7820];
	v11 =	vadd.f32 v19, v11;
	(pc) =	sbr.rel @p1 .LBB2_5-.Ltmp1, $4  }
0x54: {  	v17 =	vld [tilespmem:s30+$0x7830];
	v12 =	vadd.f32 v20, v12  }
0x55: {  	v18 =	vld [tilespmem:s30+$0x7840];
	v13 =	vadd.f32 v21, v13  }
0x56: {  	v14 =	vadd.f32 v22, v14;
	v19 =	vld [tilespmem:s30+$0x7850]  }
0x57: {  	v15 =	vadd.f32 v23, v15;
	v20 =	vld [tilespmem:s30+$0x7860];
	s30 =	sshra.s32 s31, $0x2;
	s31 =	sadd.s32 $0x200, s31  }
0x58: {  	v21 =	vld [tilespmem:s30+$0x7870]  }
0x59: {  	v22 =	vld [tilespmem:s30+$0x7800]  }
0x5a: {  	v23 =	vld [tilespmem:s30+$0x7810]  }
0x5b: {  	v24 =	vld [tilespmem:s30+$0x7820]  }
0x5c: {  	v25 =	vld [tilespmem:s30+$0x7830]  }
0x5d: {  	v26 =	vld [tilespmem:s30+$0x7840]  }
0x5e: {  	v27 =	vld [tilespmem:s30+$0x7850]  }
0x5f: {  	v28 =	vld [tilespmem:s30+$0x7860];
	s2 =	sadd.s32 @!p0 $0x28, s29;
	s30 =	simm.s32 @!p0 $0x28;
	s31 =	simm.s32 @!p0 $0x7800  }
0x60: {  	[tilespmem:s31], [sflag:$0x2] =	stream.indirect.gather @!p0 [hbm4b:s1+s30], $0x80, s2, s30, $0xb8;
	[tilespmem:$0x10880] =	vst v63  }
0x61: {  	_ =	swait.ge [sflag:s21], $0x1400  }
0x62: {  	[sflag:s21] =	ssyncset.done $0x0  }
0x63: {  	s2 =	simm.s32 $0x0;
	[sflag:s21] =	ssyncadd.s32 $0xFFFFEC00  }
0x64: {  	v8 =	vadd.f32 v16, v8;
	v9 =	vadd.f32 v17, v9;
	v29 =	vld [tilespmem:s2+$0x8C70]  }
0x65: {  	v10 =	vadd.f32 v18, v10;
	v11 =	vadd.f32 v19, v11;
	v30 =	vld [tilespmem:s2+$0x8C00]  }
0x66: {  	v12 =	vadd.f32 v20, v12;
	v13 =	vadd.f32 v21, v13;
	v20 =	vld [tilespmem:s2+$0x8C10]  }
0x67: {  	v14 =	vadd.f32 v22, v14;
	v15 =	vadd.f32 v23, v15;
	v16 =	vld [tilespmem:s2+$0x8C20]  }
0x68: {  	v8 =	vadd.f32 v24, v8;
	v9 =	vadd.f32 v25, v9;
	v17 =	vld [tilespmem:s2+$0x8C30]  }
0x69: {  	v10 =	vadd.f32 v26, v10;
	v11 =	vadd.f32 v27, v11;
	v18 =	vld [tilespmem:s2+$0x8C40]  }
0x6a: {  	v19 =	vld [tilespmem:s2+$0x8C50];
	v12 =	vadd.f32 v28, v12;
	v13 =	vadd.f32 v29, v13  }
0x6b: {  	s30 =	simm.s32 $0x80;
	s31 =	simm.s32 $0x400;
	v14 =	vadd.f32 v30, v14;
	v15 =	vadd.f32 v20, v15;
	v20 =	vld [tilespmem:s2+$0x8C60]  }
.LBB2_7:
0x6c: {  	p1 =	sne.s32 s31, $0x4E00;
	v21 =	vld [tilespmem:s30+$0x8C70];
	v8 =	vadd.f32 v16, v8  }
0x6d: {  	v22 =	vld [tilespmem:s30+$0x8C00];
	v9 =	vadd.f32 v17, v9  }
0x6e: {  	v23 =	vld [tilespmem:s30+$0x8C10];
	v10 =	vadd.f32 v18, v10  }
.Ltmp2:
0x6f: {  	v16 =	vld [tilespmem:s30+$0x8C20];
	v11 =	vadd.f32 v19, v11;
	(pc) =	sbr.rel @p1 .LBB2_7-.Ltmp2, $4  }
0x70: {  	v17 =	vld [tilespmem:s30+$0x8C30];
	v12 =	vadd.f32 v20, v12  }
0x71: {  	v18 =	vld [tilespmem:s30+$0x8C40];
	v13 =	vadd.f32 v21, v13  }
0x72: {  	v14 =	vadd.f32 v22, v14;
	v19 =	vld [tilespmem:s30+$0x8C50]  }
0x73: {  	v15 =	vadd.f32 v23, v15;
	v20 =	vld [tilespmem:s30+$0x8C60];
	s30 =	sshra.s32 s31, $0x2;
	s31 =	sadd.s32 $0x200, s31  }
0x74: {  	v21 =	vld [tilespmem:s30+$0x8C70]  }
0x75: {  	v22 =	vld [tilespmem:s30+$0x8C00]  }
0x76: {  	v23 =	vld [tilespmem:s30+$0x8C10]  }
0x77: {  	v24 =	vld [tilespmem:s30+$0x8C20]  }
0x78: {  	v25 =	vld [tilespmem:s30+$0x8C30]  }
0x79: {  	v26 =	vld [tilespmem:s30+$0x8C40]  }
0x7a: {  	v27 =	vld [tilespmem:s30+$0x8C50]  }
0x7b: {  	v28 =	vld [tilespmem:s30+$0x8C60];
	s2 =	sadd.s32 @!p0 $0x50, s29;
	s30 =	simm.s32 @!p0 $0x28;
	s31 =	simm.s32 @!p0 $0x8C00  }
0x7c: {  	[tilespmem:s31], [sflag:$0x3] =	stream.indirect.gather @!p0 [hbm4b:s1+s30], $0x80, s2, s30, $0xb8;
	[tilespmem:$0x10880] =	vst v63  }
0x7d: {  	_ =	swait.ge [sflag:s22], $0x1400  }
0x7e: {  	[sflag:s22] =	ssyncset.done $0x0  }
0x7f: {  	s2 =	simm.s32 $0x0;
	[sflag:s22] =	ssyncadd.s32 $0xFFFFEC00  }
0x80: {  	v8 =	vadd.f32 v16, v8;
	v9 =	vadd.f32 v17, v9;
	v29 =	vld [tilespmem:s2+$0xA070]  }
0x81: {  	v10 =	vadd.f32 v18, v10;
	v11 =	vadd.f32 v19, v11;
	v30 =	vld [tilespmem:s2+$0xA000]  }
0x82: {  	v12 =	vadd.f32 v20, v12;
	v13 =	vadd.f32 v21, v13;
	v20 =	vld [tilespmem:s2+$0xA010]  }
0x83: {  	v14 =	vadd.f32 v22, v14;
	v15 =	vadd.f32 v23, v15;
	v16 =	vld [tilespmem:s2+$0xA020]  }
0x84: {  	v8 =	vadd.f32 v24, v8;
	v9 =	vadd.f32 v25, v9;
	v17 =	vld [tilespmem:s2+$0xA030]  }
0x85: {  	v10 =	vadd.f32 v26, v10;
	v11 =	vadd.f32 v27, v11;
	v18 =	vld [tilespmem:s2+$0xA040]  }
0x86: {  	v19 =	vld [tilespmem:s2+$0xA050];
	v12 =	vadd.f32 v28, v12;
	v13 =	vadd.f32 v29, v13  }
0x87: {  	s30 =	simm.s32 $0x80;
	s31 =	simm.s32 $0x400;
	v14 =	vadd.f32 v30, v14;
	v15 =	vadd.f32 v20, v15;
	v20 =	vld [tilespmem:s2+$0xA060]  }
.LBB2_9:
0x88: {  	p1 =	sne.s32 s31, $0x4E00;
	v21 =	vld [tilespmem:s30+$0xA070];
	v8 =	vadd.f32 v16, v8  }
0x89: {  	v22 =	vld [tilespmem:s30+$0xA000];
	v9 =	vadd.f32 v17, v9  }
0x8a: {  	v23 =	vld [tilespmem:s30+$0xA010];
	v10 =	vadd.f32 v18, v10  }
.Ltmp3:
0x8b: {  	v16 =	vld [tilespmem:s30+$0xA020];
	v11 =	vadd.f32 v19, v11;
	(pc) =	sbr.rel @p1 .LBB2_9-.Ltmp3, $4  }
0x8c: {  	v17 =	vld [tilespmem:s30+$0xA030];
	v12 =	vadd.f32 v20, v12  }
0x8d: {  	v18 =	vld [tilespmem:s30+$0xA040];
	v13 =	vadd.f32 v21, v13  }
0x8e: {  	v14 =	vadd.f32 v22, v14;
	v19 =	vld [tilespmem:s30+$0xA050]  }
0x8f: {  	v15 =	vadd.f32 v23, v15;
	v20 =	vld [tilespmem:s30+$0xA060];
	s30 =	sshra.s32 s31, $0x2;
	s31 =	sadd.s32 $0x200, s31  }
0x90: {  	v21 =	vld [tilespmem:s30+$0xA070]  }
0x91: {  	v22 =	vld [tilespmem:s30+$0xA000]  }
0x92: {  	v23 =	vld [tilespmem:s30+$0xA010]  }
0x93: {  	v24 =	vld [tilespmem:s30+$0xA020]  }
0x94: {  	v25 =	vld [tilespmem:s30+$0xA030]  }
0x95: {  	v26 =	vld [tilespmem:s30+$0xA040]  }
0x96: {  	v27 =	vld [tilespmem:s30+$0xA050]  }
0x97: {  	v28 =	vld [tilespmem:s30+$0xA060];
	s2 =	sadd.s32 @!p0 $0x78, s29;
	s30 =	simm.s32 @!p0 $0x28;
	s31 =	simm.s32 @!p0 $0xA000  }
0x98: {  	[tilespmem:s31], [sflag:$0x4] =	stream.indirect.gather @!p0 [hbm4b:s1+s30], $0x80, s2, s30, $0xb8;
	[tilespmem:$0x10880] =	vst v63  }
0x99: {  	_ =	swait.ge [sflag:s23], $0x1400  }
0x9a: {  	[sflag:s23] =	ssyncset.done $0x0  }
0x9b: {  	s2 =	simm.s32 $0x0;
	[sflag:s23] =	ssyncadd.s32 $0xFFFFEC00  }
0x9c: {  	v8 =	vadd.f32 v16, v8;
	v9 =	vadd.f32 v17, v9;
	v17 =	vld [tilespmem:s2+$0xB470]  }
0x9d: {  	v10 =	vadd.f32 v18, v10;
	v16 =	vadd.f32 v19, v11;
	v18 =	vld [tilespmem:s2+$0xB400]  }
0x9e: {  	v19 =	vadd.f32 v20, v12;
	v20 =	vadd.f32 v21, v13;
	v21 =	vld [tilespmem:s2+$0xB410]  }
0x9f: {  	v22 =	vadd.f32 v22, v14;
	v23 =	vadd.f32 v23, v15;
	v14 =	vld [tilespmem:s2+$0xB420]  }
0xa0: {  	v13 =	vadd.f32 v24, v8;
	v12 =	vadd.f32 v25, v9;
	v15 =	vld [tilespmem:s2+$0xB430]  }
0xa1: {  	v11 =	vadd.f32 v26, v10;
	v10 =	vadd.f32 v27, v16;
	v16 =	vld [tilespmem:s2+$0xB440]  }
0xa2: {  	v9 =	vadd.f32 v28, v19;
	v8 =	vadd.f32 v17, v20;
	v17 =	vld [tilespmem:s2+$0xB450]  }
0xa3: {  	s30 =	simm.s32 $0x80;
	s31 =	simm.s32 $0x400;
	v18 =	vadd.f32 v18, v22;
	v19 =	vadd.f32 v21, v23;
	v20 =	vld [tilespmem:s2+$0xB460]  }
.LBB2_11:
0xa4: {  	p1 =	sne.s32 s31, $0x4E00;
	v21 =	vld [tilespmem:s30+$0xB470];
	v13 =	vadd.f32 v14, v13  }
0xa5: {  	v22 =	vld [tilespmem:s30+$0xB400];
	v12 =	vadd.f32 v15, v12  }
0xa6: {  	v23 =	vld [tilespmem:s30+$0xB410];
	v11 =	vadd.f32 v16, v11  }
.Ltmp4:
0xa7: {  	v14 =	vld [tilespmem:s30+$0xB420];
	v10 =	vadd.f32 v17, v10;
	(pc) =	sbr.rel @p1 .LBB2_11-.Ltmp4, $4  }
0xa8: {  	v15 =	vld [tilespmem:s30+$0xB430];
	v9 =	vadd.f32 v20, v9  }
0xa9: {  	v16 =	vld [tilespmem:s30+$0xB440];
	v8 =	vadd.f32 v21, v8  }
0xaa: {  	v18 =	vadd.f32 v22, v18;
	v17 =	vld [tilespmem:s30+$0xB450]  }
0xab: {  	v19 =	vadd.f32 v23, v19;
	v20 =	vld [tilespmem:s30+$0xB460];
	s30 =	sshra.s32 s31, $0x2;
	s31 =	sadd.s32 $0x200, s31  }
0xac: {  	v21 =	vld [tilespmem:s30+$0xB470]  }
0xad: {  	v22 =	vld [tilespmem:s30+$0xB400]  }
0xae: {  	v23 =	vld [tilespmem:s30+$0xB410]  }
0xaf: {  	v24 =	vld [tilespmem:s30+$0xB420]  }
0xb0: {  	v25 =	vld [tilespmem:s30+$0xB430]  }
0xb1: {  	v26 =	vld [tilespmem:s30+$0xB440]  }
0xb2: {  	v27 =	vld [tilespmem:s30+$0xB450];
	s2 =	sadd.s32 @!p0 $0xA0, s29  }
0xb3: {  	v28 =	vld [tilespmem:s30+$0xB460];
	s29 =	simm.s32 @!p0 $0x28;
	s30 =	simm.s32 @!p0 $0xB400;
	s31 =	sshll.u32 s26, $0x7  }
0xb4: {  	v13 =	vadd.f32 v14, v13;
	[tilespmem:s30], [sflag:$0x5] =	stream.indirect.gather @!p0 [hbm4b:s1+s29], $0x80, s2, s29, $0xb8;
	v62 =	vadd.f32 v22, v18;
	[tilespmem:$0x10880] =	vst v63  }
0xb5: {  	v12 =	vadd.f32 v15, v12;
	s2 =	sand.u32 $0x3FFFFF80, s31;
	v63 =	vadd.f32 v23, v19  }
0xb6: {  	v11 =	vadd.f32 v16, v11;
	v13 =	vadd.f32 v24, v13;
	[tilespmem:s2+$0xC800] =	vst v62  }
0xb7: {  	v10 =	vadd.f32 v17, v10;
	v12 =	vadd.f32 v25, v12;
	[tilespmem:s2+$0xC810] =	vst v63  }
0xb8: {  	p0 =	sne.s32 s28, $0x80;
	v11 =	vadd.f32 v26, v11;
	[tilespmem:s2+$0xC820] =	vst v13  }
.Ltmp5:
0xb9: {  	v9 =	vadd.f32 v20, v9;
	v10 =	vadd.f32 v27, v10;
	[tilespmem:s2+$0xC830] =	vst v12;
	(pc) =	sbr.rel @p0 .LBB2_2-.Ltmp5, $4  }
0xba: {  	v8 =	vadd.f32 v21, v8;
	[tilespmem:s2+$0xC840] =	vst v11  }
0xbb: {  	v9 =	vadd.f32 v28, v9;
	[tilespmem:s2+$0xC850] =	vst v10  }
0xbc: {  	[tilespmem:s2+$0xC870] =	vst v8  }
0xbd: {  	s26 =	smov.u32 s28;
	[tilespmem:s2+$0xC860] =	vst v9  }
0xbe: {  	s25 =	sadd.s32 $0x1, s25  }
0xbf: {  	p0 =	sne.s32 s25, s7  }
.Ltmp6:
0xc0: {  	_ = 	snop;
	(pc) =	sbr.rel @p0 .LBB2_1-.Ltmp6, $4  }
0xc1: {  	[hbm4b:s6+s4] =	stream.linear.scatter [tilespmem:s24], [sflag:$0x6], $0x4000, $0x38;
	[tilespmem:$0x10880] =	vst v63  }
0xc2: {  	_ =	swait.ge [sflag:s8], $0x4000  }
0xc3: {  	[sflag:s8] =	ssyncset.done $0x0  }
0xc4: {  	[sflag:s8] =	ssyncadd.s32 $0xFFFFC000  }
0xc5: {  	_ =	sfence.sel $0x180000  }
0xc6: {  	[bflag:$0x0] =	sbarrier.arrive $0xFFFF  }
0xc7: {  	_ =	strace $0x90000047  }
0xc8: {  	[bflag:$0x2] =	sbarrier.arrive $0xFFFF  }
0xc9: {  	p0 =	sne.s32 s0, $0x0;
	s0 =	rddreg [dreg:$0x4]  }
0xca: {  	s0 =	sadd.s32 @!p0 $0x100000, s0  }
0xcb: {  	[sflag:s0] =	ssyncadd.tile.s32 @!p0 $0x1;
	_ =	shalt  }
.Lfunc_end2:
_tile_overlayer_lowered:
.L_overlay_start_2:
0xcc: {  	(tag) =	ssettag $0x2  }
0xcd: {  	s0 =	rddreg [dreg:$0x0];
	s2 =	stileid.u32  }
0xce: {  	s1 =	rddreg [dreg:$0x1];
	p0 =	sne.s32 s2, $0x0  }
0xcf: {  	s3 =	rddreg [dreg:$0x2];
	[bflag:$0x3] =	sbarrier.arrive $0xFFFF;
	s2 =	simm.s32 @!p0 $0x1C06  }
0xd0: {  	[timem:s3], [sflag:s2] =	dma.local @!p0 [hbm:s0], s1  }
0xd1: {  	s0 =	simm.s32 @!p0 $0x6  }
0xd2: {  	_ =	swait.ge @!p0 [sflag:s0], s1  }
0xd3: {  	s1 =	ssub.s32 @!p0 $0x0, s1;
	[sflag:s0] =	ssyncset.done @!p0 $0x0  }
0xd4: {  	[sflag:s0] =	ssyncadd.s32 @!p0 s1  }
0xd5: {  	[bflag:$0x3] =	sbarrier.arrive $0xFFFF  }
0xd6: {  	_ =	shalt  }

</sc_bundles>
